<compile_context>
chip_gen: v7x
topology: tpu7x:2x2x1
jax: 0.10.2.dev20260603
libtpu: 0.0.44.dev20260713+nightly
codegen_flags: <defaults>
</compile_context>

<pallas_src>
import functools
import math

import jax
import jax.numpy as jnp
from jax import lax
from jax.experimental import pallas as pl
from jax.experimental.pallas import tpu as pltpu
from jax.experimental.pallas import tpu_sc as plsc

N_NODES = 100000
N_EDGES = 6400000
CUTOFF = 5.0
N_BASES = 8

NC = 2
NS = 16
NW = NC * NS
PER_TILE = N_EDGES // NW
B = 2000
NCHUNKS = PER_TILE // B
GROUPS = B // 16
N_PAD = 100352
FILL = N_PAD // NS

_PI = float(math.pi)
_HALF_PI = float(math.pi / 2.0)
_PREF = float(math.sqrt(2.0 / CUTOFF))


TC_BR = 1000


def _tc_emb(len_ref, emb_ref):
    l = len_ref[...]
    r5 = l * (1.0 / CUTOFF)
    rr2 = r5 * r5
    r6 = rr2 * r5
    r6 = r6 * r6
    env = 1.0 + r6 * (-28.0 + 48.0 * r5 - 21.0 * rr2)
    env = jnp.where(l < CUTOFF, env, 0.0)
    k = (_PREF * env) / l
    a = l * (_PI / CUTOFF)
    for n in range(N_BASES):
        emb_ref[:, pl.ds(128 * n, 128)] = jnp.sin(a * float(n + 1)) * k


def _tile_body(px_hbm, py_hbm, pz_hbm, send_hbm, recv_hbm, shifts_hbm,
               len_hbm, unit_hbm,
               sidx, ridx, sx_b, sy_b, sz_b, rx_b, ry_b, rz_b,
               shv, lenb, unitb, px_sh, py_sh, pz_sh, gsem):
    w = lax.axis_index("s") * NC + lax.axis_index("c")
    iota = lax.iota(jnp.int32, 16)

    sid = lax.axis_index("s")
    foff = sid * FILL
    fsl = pl.ds(foff, FILL)
    pltpu.sync_copy(px_hbm.at[fsl], px_sh.at[fsl])
    pltpu.sync_copy(py_hbm.at[fsl], py_sh.at[fsl])
    pltpu.sync_copy(pz_hbm.at[fsl], pz_sh.at[fsl])
    plsc.subcore_barrier()

    def chunk_body(ci, carry):
        base = w * PER_TILE + ci * B
        pltpu.sync_copy(send_hbm.at[pl.ds(base, B)], sidx)
        pltpu.sync_copy(recv_hbm.at[pl.ds(base, B)], ridx)
        pltpu.sync_copy(shifts_hbm.at[pl.ds(3 * base, 3 * B)], shv)

        descs = [
            pltpu.async_copy(px_sh.at[sidx], sx_b, gsem),
            pltpu.async_copy(py_sh.at[sidx], sy_b, gsem),
            pltpu.async_copy(pz_sh.at[sidx], sz_b, gsem),
            pltpu.async_copy(px_sh.at[ridx], rx_b, gsem),
            pltpu.async_copy(py_sh.at[ridx], ry_b, gsem),
            pltpu.async_copy(pz_sh.at[ridx], rz_b, gsem),
        ]
        for d in descs:
            d.wait()

        def grp(g, c2):
            o = g * 16
            sl16 = pl.ds(o, 16)
            rows3 = (iota + o) * 3
            vx = rx_b[sl16] - sx_b[sl16] + plsc.load_gather(shv, [rows3])
            vy = ry_b[sl16] - sy_b[sl16] + plsc.load_gather(shv, [rows3 + 1])
            vz = rz_b[sl16] - sz_b[sl16] + plsc.load_gather(shv, [rows3 + 2])
            len2 = vx * vx + vy * vy + vz * vz
            bits = plsc.bitcast(len2, jnp.int32)
            y = plsc.bitcast(jnp.int32(0x5F3759DF) - (bits >> 1), jnp.float32)
            h = len2 * 0.5
            y = y * (1.5 - h * y * y)
            y = y * (1.5 - h * y * y)
            y = y * (1.5 - h * y * y)
            ln = len2 * y
            lenb[sl16] = ln
            plsc.store_scatter(unitb, [rows3], vx * y)
            plsc.store_scatter(unitb, [rows3 + 1], vy * y)
            plsc.store_scatter(unitb, [rows3 + 2], vz * y)
            return c2

        lax.fori_loop(0, GROUPS, grp, 0, unroll=False)

        pltpu.sync_copy(lenb, len_hbm.at[pl.ds(base, B)])
        pltpu.sync_copy(unitb, unit_hbm.at[pl.ds(3 * base, 3 * B)])
        return carry

    lax.fori_loop(0, NCHUNKS, chunk_body, 0, unroll=False)


@jax.jit
def kernel(positions, edge_index, shifts):
    ppad = jnp.pad(positions, ((0, N_PAD - N_NODES), (0, 0)))
    px = ppad[:, 0]
    py = ppad[:, 1]
    pz = ppad[:, 2]
    sender = edge_index[0]
    receiver = edge_index[1]
    shifts_flat = shifts.reshape(3 * N_EDGES)

    mesh = plsc.VectorSubcoreMesh(core_axis_name="c", subcore_axis_name="s")
    fn = functools.partial(
        pl.kernel,
        mesh=mesh,
        compiler_params=pltpu.CompilerParams(needs_layout_passes=False),
        out_type=[
            jax.ShapeDtypeStruct((N_EDGES,), jnp.float32),
            jax.ShapeDtypeStruct((N_EDGES * 3,), jnp.float32),
        ],
        scratch_types=[
            pltpu.VMEM((B,), jnp.int32),
            pltpu.VMEM((B,), jnp.int32),
            pltpu.VMEM((B,), jnp.float32),
            pltpu.VMEM((B,), jnp.float32),
            pltpu.VMEM((B,), jnp.float32),
            pltpu.VMEM((B,), jnp.float32),
            pltpu.VMEM((B,), jnp.float32),
            pltpu.VMEM((B,), jnp.float32),
            pltpu.VMEM((3 * B,), jnp.float32),
            pltpu.VMEM((B,), jnp.float32),
            pltpu.VMEM((3 * B,), jnp.float32),
            pltpu.VMEM_SHARED((N_PAD,), jnp.float32),
            pltpu.VMEM_SHARED((N_PAD,), jnp.float32),
            pltpu.VMEM_SHARED((N_PAD,), jnp.float32),
            pltpu.SemaphoreType.DMA,
        ],
    )(_tile_body)
    lengths, unit_flat = fn(px, py, pz, sender, receiver, shifts_flat)

    len_mat = lengths.reshape(N_EDGES // 128, 128)
    emb_mat = pl.pallas_call(
        _tc_emb,
        grid=(N_EDGES // 128 // TC_BR,),
        in_specs=[pl.BlockSpec((TC_BR, 128), lambda i: (i, 0))],
        out_specs=pl.BlockSpec((TC_BR, 128 * N_BASES), lambda i: (i, 0)),
        out_shape=jax.ShapeDtypeStruct(
            (N_EDGES // 128, 128 * N_BASES), jnp.float32),
    )(len_mat)
    one = jnp.cos(positions[0, 0] * 0.0)
    emb = (emb_mat.reshape(N_EDGES // 128, N_BASES, 128)
           .swapaxes(1, 2).reshape(N_EDGES, N_BASES)) * one
    return (lengths.reshape(N_EDGES, 1), emb,
            unit_flat.reshape(N_EDGES, 3))

# --- scband reference (transcript-rebuilt; emitter-appended) ---
"""Pipeline reference for scband-base-gnn-59261958750298 (READ-ONLY COPY).

The authoritative reference and input builder live on the scoring server;
editing this copy changes nothing except your own understanding.
"""

import jax, jax.numpy as jnp
import numpy as np

N_NODES = 100000
N_EDGES = 6400000
CUTOFF = 5.0
N_BASES = 8
N_POLY = 6


def setup_inputs(seed: int = 0) -> dict:
    key = jax.random.key(seed)
    k1, k2, k3 = jax.random.split(key, 3)
    positions = jax.random.normal(k1, (N_NODES, 3), dtype=jnp.float32) * 3.0
    edge_index = jax.random.randint(k2, (2, N_EDGES), 0, N_NODES, dtype=jnp.int32)
    shifts = jax.random.normal(k3, (N_EDGES, 3), dtype=jnp.float32) * 0.1
    return {"positions": positions, "edge_index": edge_index, "shifts": shifts}


def _radial_embedding(lengths):
    # BesselBasis (MACE-style): prefactor * sin(n*pi*r/r_c) / r, n = 1..n_bases
    n = jnp.arange(1, N_BASES + 1, dtype=jnp.float32)
    prefactor = jnp.sqrt(2.0 / CUTOFF).astype(jnp.float32)
    bessel = prefactor * jnp.sin(n * jnp.pi * lengths / CUTOFF) / lengths
    # PolynomialCutoff envelope of order p = N_POLY
    p = float(N_POLY)
    r = lengths / CUTOFF
    env = (
        1.0
        - ((p + 1.0) * (p + 2.0) / 2.0) * r ** p
        + p * (p + 2.0) * r ** (p + 1.0)
        - (p * (p + 1.0) / 2.0) * r ** (p + 2.0)
    )
    env = env * (lengths < CUTOFF).astype(jnp.float32)
    return bessel * env


def reference(positions, edge_index, shifts):
    # get_edge_vectors_and_lengths (normalize=True)
    sender = edge_index[0]
    receiver = edge_index[1]
    vectors = jnp.take(positions, receiver, axis=0) - jnp.take(positions, sender, axis=0) + shifts
    lengths = jnp.linalg.norm(vectors, axis=-1, keepdims=True)
    unit_vectors = jnp.nan_to_num(vectors / lengths)
    edge_embeddings = _radial_embedding(lengths)
    return (lengths, edge_embeddings, unit_vectors)

if __name__ == "__main__":
    import jax
    _d = setup_inputs()
    print(jax.jit(kernel)(*tuple(_d.values())))

</pallas_src>

<mosaic_0001>
#map = affine_map<(d0, d1) -> (0)>
module attributes {stable_mosaic.version = 14 : i64} {
  func.func @_tile_body(%arg0: i32, %arg1: i32, %arg2: memref<100352xf32, #tpu.memory_space<hbm>>, %arg3: memref<100352xf32, #tpu.memory_space<hbm>>, %arg4: memref<100352xf32, #tpu.memory_space<hbm>>, %arg5: memref<6400000xi32, #tpu.memory_space<hbm>>, %arg6: memref<6400000xi32, #tpu.memory_space<hbm>>, %arg7: memref<19200000xf32, #tpu.memory_space<hbm>>, %arg8: memref<6400000xf32, #tpu.memory_space<hbm>>, %arg9: memref<19200000xf32, #tpu.memory_space<hbm>>, %arg10: memref<2000xi32, #tpu.memory_space<vmem>>, %arg11: memref<2000xi32, #tpu.memory_space<vmem>>, %arg12: memref<2000xf32, #tpu.memory_space<vmem>>, %arg13: memref<2000xf32, #tpu.memory_space<vmem>>, %arg14: memref<2000xf32, #tpu.memory_space<vmem>>, %arg15: memref<2000xf32, #tpu.memory_space<vmem>>, %arg16: memref<2000xf32, #tpu.memory_space<vmem>>, %arg17: memref<2000xf32, #tpu.memory_space<vmem>>, %arg18: memref<6000xf32, #tpu.memory_space<vmem>>, %arg19: memref<2000xf32, #tpu.memory_space<vmem>>, %arg20: memref<6000xf32, #tpu.memory_space<vmem>>, %arg21: memref<100352xf32, #tpu.memory_space<vmem_shared>>, %arg22: memref<100352xf32, #tpu.memory_space<vmem_shared>>, %arg23: memref<100352xf32, #tpu.memory_space<vmem_shared>>, %arg24: memref<!tpu.dma_semaphore, #tpu.memory_space<semaphore_mem>>) attributes {dimension_semantics = [#tpu.dimension_semantics<core_parallel>, #tpu.dimension_semantics<subcore_parallel>], iteration_bounds = array<i64: 2, 16>, scalar_prefetch = 0 : i64, scratch_operands = 15 : i64, tpu.core_type = #tpu.core_type<sc_vector_subcore>, window_params = [{transform_indices = #map}, {transform_indices = #map}, {transform_indices = #map}, {transform_indices = #map}, {transform_indices = #map}, {transform_indices = #map}, {transform_indices = #map}, {transform_indices = #map}]} {
    %mul3A = arith.constant 2 : i32
    %mul3A_0 = arith.muli %arg1, %mul3A : i32
    %add3A = arith.addi %mul3A_0, %arg0 : i32
    %iota3A = tpu.iota {dimensions = array<i32: 0>} : vector<16xi32>
    %mul3A_1 = arith.constant 6272 : i32
    %mul3A_2 = arith.muli %arg1, %mul3A_1 : i32
    "tpu.region"() ({
      %run_scoped3A = tpu.sem_alloc : memref<!tpu.dma_semaphore, #tpu.memory_space<semaphore_mem>>
      %dma_start3A = tpu.memref_slice %arg21[%mul3A_2] : memref<100352xf32, #tpu.memory_space<vmem_shared>> -> memref<6272xf32, #tpu.memory_space<vmem_shared>>
      %dma_start3A_8 = tpu.memref_slice %arg2[%mul3A_2] : memref<100352xf32, #tpu.memory_space<hbm>> -> memref<6272xf32, #tpu.memory_space<hbm>>
      tpu.enqueue_dma source(%dma_start3A_8 : memref<6272xf32, #tpu.memory_space<hbm>>) target(%dma_start3A : memref<6272xf32, #tpu.memory_space<vmem_shared>>) target_semaphore(%run_scoped3A : memref<!tpu.dma_semaphore, #tpu.memory_space<semaphore_mem>>)
      %dma_wait3A = tpu.memref_slice %arg21[%mul3A_2] : memref<100352xf32, #tpu.memory_space<vmem_shared>> -> memref<6272xf32, #tpu.memory_space<vmem_shared>>
      %dma_wait3A_9 = tpu.memref_slice %arg2[%mul3A_2] : memref<100352xf32, #tpu.memory_space<hbm>> -> memref<6272xf32, #tpu.memory_space<hbm>>
      tpu.wait_dma2 semaphore(%run_scoped3A : memref<!tpu.dma_semaphore, #tpu.memory_space<semaphore_mem>>) src(%dma_wait3A_9 : memref<6272xf32, #tpu.memory_space<hbm>>) dst(%dma_wait3A : memref<6272xf32, #tpu.memory_space<vmem_shared>>)
      tpu.yield
    }) : () -> ()
    "tpu.region"() ({
      %run_scoped3A = tpu.sem_alloc : memref<!tpu.dma_semaphore, #tpu.memory_space<semaphore_mem>>
      %dma_start3A = tpu.memref_slice %arg22[%mul3A_2] : memref<100352xf32, #tpu.memory_space<vmem_shared>> -> memref<6272xf32, #tpu.memory_space<vmem_shared>>
      %dma_start3A_8 = tpu.memref_slice %arg3[%mul3A_2] : memref<100352xf32, #tpu.memory_space<hbm>> -> memref<6272xf32, #tpu.memory_space<hbm>>
      tpu.enqueue_dma source(%dma_start3A_8 : memref<6272xf32, #tpu.memory_space<hbm>>) target(%dma_start3A : memref<6272xf32, #tpu.memory_space<vmem_shared>>) target_semaphore(%run_scoped3A : memref<!tpu.dma_semaphore, #tpu.memory_space<semaphore_mem>>)
      %dma_wait3A = tpu.memref_slice %arg22[%mul3A_2] : memref<100352xf32, #tpu.memory_space<vmem_shared>> -> memref<6272xf32, #tpu.memory_space<vmem_shared>>
      %dma_wait3A_9 = tpu.memref_slice %arg3[%mul3A_2] : memref<100352xf32, #tpu.memory_space<hbm>> -> memref<6272xf32, #tpu.memory_space<hbm>>
      tpu.wait_dma2 semaphore(%run_scoped3A : memref<!tpu.dma_semaphore, #tpu.memory_space<semaphore_mem>>) src(%dma_wait3A_9 : memref<6272xf32, #tpu.memory_space<hbm>>) dst(%dma_wait3A : memref<6272xf32, #tpu.memory_space<vmem_shared>>)
      tpu.yield
    }) : () -> ()
    "tpu.region"() ({
      %run_scoped3A = tpu.sem_alloc : memref<!tpu.dma_semaphore, #tpu.memory_space<semaphore_mem>>
      %dma_start3A = tpu.memref_slice %arg23[%mul3A_2] : memref<100352xf32, #tpu.memory_space<vmem_shared>> -> memref<6272xf32, #tpu.memory_space<vmem_shared>>
      %dma_start3A_8 = tpu.memref_slice %arg4[%mul3A_2] : memref<100352xf32, #tpu.memory_space<hbm>> -> memref<6272xf32, #tpu.memory_space<hbm>>
      tpu.enqueue_dma source(%dma_start3A_8 : memref<6272xf32, #tpu.memory_space<hbm>>) target(%dma_start3A : memref<6272xf32, #tpu.memory_space<vmem_shared>>) target_semaphore(%run_scoped3A : memref<!tpu.dma_semaphore, #tpu.memory_space<semaphore_mem>>)
      %dma_wait3A = tpu.memref_slice %arg23[%mul3A_2] : memref<100352xf32, #tpu.memory_space<vmem_shared>> -> memref<6272xf32, #tpu.memory_space<vmem_shared>>
      %dma_wait3A_9 = tpu.memref_slice %arg4[%mul3A_2] : memref<100352xf32, #tpu.memory_space<hbm>> -> memref<6272xf32, #tpu.memory_space<hbm>>
      tpu.wait_dma2 semaphore(%run_scoped3A : memref<!tpu.dma_semaphore, #tpu.memory_space<semaphore_mem>>) src(%dma_wait3A_9 : memref<6272xf32, #tpu.memory_space<hbm>>) dst(%dma_wait3A : memref<6272xf32, #tpu.memory_space<vmem_shared>>)
      tpu.yield
    }) : () -> ()
    %barrier3A = arith.constant 0 : index
    tpu.barrier barrier_id(%barrier3A)
    %scan3A = arith.constant 0 : i32
    %scan3A_3 = arith.constant 0 : i32
    %scan3A_4 = arith.constant 100 : i32
    %scan3A_5 = arith.addi %scan3A_3, %scan3A_4 : i32
    %scan3A_6 = arith.constant 1 : i32
    scf.for %scan3A_8 = %scan3A_3 to %scan3A_5 step %scan3A_6  : i32 {
      %mul3A_9 = arith.constant 200000 : i32
      %mul3A_10 = arith.muli %add3A, %mul3A_9 : i32
      %mul3A_11 = arith.constant 2000 : i32
      %mul3A_12 = arith.muli %scan3A_8, %mul3A_11 : i32
      %add3A_13 = arith.addi %mul3A_10, %mul3A_12 : i32
      "tpu.region"() ({
        %run_scoped3A = tpu.sem_alloc : memref<!tpu.dma_semaphore, #tpu.memory_space<semaphore_mem>>
        %dma_start3A_46 = tpu.memref_slice %arg5[%add3A_13] : memref<6400000xi32, #tpu.memory_space<hbm>> -> memref<2000xi32, #tpu.memory_space<hbm>>
        %dma_start3A_47 = tpu.memref_slice %arg5[%add3A_13] : memref<6400000xi32, #tpu.memory_space<hbm>> -> memref<2000xi32, #tpu.memory_space<hbm>>
        tpu.enqueue_dma source(%dma_start3A_47 : memref<2000xi32, #tpu.memory_space<hbm>>) target(%arg10 : memref<2000xi32, #tpu.memory_space<vmem>>) target_semaphore(%run_scoped3A : memref<!tpu.dma_semaphore, #tpu.memory_space<semaphore_mem>>)
        %dma_wait3A_48 = tpu.memref_slice %arg5[%add3A_13] : memref<6400000xi32, #tpu.memory_space<hbm>> -> memref<2000xi32, #tpu.memory_space<hbm>>
        %dma_wait3A_49 = tpu.memref_slice %arg5[%add3A_13] : memref<6400000xi32, #tpu.memory_space<hbm>> -> memref<2000xi32, #tpu.memory_space<hbm>>
        tpu.wait_dma2 semaphore(%run_scoped3A : memref<!tpu.dma_semaphore, #tpu.memory_space<semaphore_mem>>) src(%dma_wait3A_49 : memref<2000xi32, #tpu.memory_space<hbm>>) dst(%arg10 : memref<2000xi32, #tpu.memory_space<vmem>>)
        tpu.yield
      }) : () -> ()
      "tpu.region"() ({
        %run_scoped3A = tpu.sem_alloc : memref<!tpu.dma_semaphore, #tpu.memory_space<semaphore_mem>>
        %dma_start3A_46 = tpu.memref_slice %arg6[%add3A_13] : memref<6400000xi32, #tpu.memory_space<hbm>> -> memref<2000xi32, #tpu.memory_space<hbm>>
        %dma_start3A_47 = tpu.memref_slice %arg6[%add3A_13] : memref<6400000xi32, #tpu.memory_space<hbm>> -> memref<2000xi32, #tpu.memory_space<hbm>>
        tpu.enqueue_dma source(%dma_start3A_47 : memref<2000xi32, #tpu.memory_space<hbm>>) target(%arg11 : memref<2000xi32, #tpu.memory_space<vmem>>) target_semaphore(%run_scoped3A : memref<!tpu.dma_semaphore, #tpu.memory_space<semaphore_mem>>)
        %dma_wait3A_48 = tpu.memref_slice %arg6[%add3A_13] : memref<6400000xi32, #tpu.memory_space<hbm>> -> memref<2000xi32, #tpu.memory_space<hbm>>
        %dma_wait3A_49 = tpu.memref_slice %arg6[%add3A_13] : memref<6400000xi32, #tpu.memory_space<hbm>> -> memref<2000xi32, #tpu.memory_space<hbm>>
        tpu.wait_dma2 semaphore(%run_scoped3A : memref<!tpu.dma_semaphore, #tpu.memory_space<semaphore_mem>>) src(%dma_wait3A_49 : memref<2000xi32, #tpu.memory_space<hbm>>) dst(%arg11 : memref<2000xi32, #tpu.memory_space<vmem>>)
        tpu.yield
      }) : () -> ()
      %mul3A_14 = arith.constant 3 : i32
      %mul3A_15 = arith.muli %mul3A_14, %add3A_13 : i32
      "tpu.region"() ({
        %run_scoped3A = tpu.sem_alloc : memref<!tpu.dma_semaphore, #tpu.memory_space<semaphore_mem>>
        %dma_start3A_46 = tpu.memref_slice %arg7[%mul3A_15] : memref<19200000xf32, #tpu.memory_space<hbm>> -> memref<6000xf32, #tpu.memory_space<hbm>>
        %dma_start3A_47 = tpu.memref_slice %arg7[%mul3A_15] : memref<19200000xf32, #tpu.memory_space<hbm>> -> memref<6000xf32, #tpu.memory_space<hbm>>
        tpu.enqueue_dma source(%dma_start3A_47 : memref<6000xf32, #tpu.memory_space<hbm>>) target(%arg18 : memref<6000xf32, #tpu.memory_space<vmem>>) target_semaphore(%run_scoped3A : memref<!tpu.dma_semaphore, #tpu.memory_space<semaphore_mem>>)
        %dma_wait3A_48 = tpu.memref_slice %arg7[%mul3A_15] : memref<19200000xf32, #tpu.memory_space<hbm>> -> memref<6000xf32, #tpu.memory_space<hbm>>
        %dma_wait3A_49 = tpu.memref_slice %arg7[%mul3A_15] : memref<19200000xf32, #tpu.memory_space<hbm>> -> memref<6000xf32, #tpu.memory_space<hbm>>
        tpu.wait_dma2 semaphore(%run_scoped3A : memref<!tpu.dma_semaphore, #tpu.memory_space<semaphore_mem>>) src(%dma_wait3A_49 : memref<6000xf32, #tpu.memory_space<hbm>>) dst(%arg18 : memref<6000xf32, #tpu.memory_space<vmem>>)
        tpu.yield
      }) : () -> ()
      %dma_start3A = arith.constant 0 : i32
      %dma_start3A_16 = tpu.memref_slice %arg21[%dma_start3A] : memref<100352xf32, #tpu.memory_space<vmem_shared>> -> memref<100352xf32, #tpu.memory_space<vmem_shared>>
      tpu.enqueue_indirect_dma source(%dma_start3A_16 : memref<100352xf32, #tpu.memory_space<vmem_shared>>) target(%arg12 : memref<2000xf32, #tpu.memory_space<vmem>>) offsets(%arg10 : memref<2000xi32, #tpu.memory_space<vmem>>) semaphore(%arg24 : memref<!tpu.dma_semaphore, #tpu.memory_space<semaphore_mem>>)
      %dma_start3A_17 = arith.constant 0 : i32
      %dma_start3A_18 = tpu.memref_slice %arg22[%dma_start3A_17] : memref<100352xf32, #tpu.memory_space<vmem_shared>> -> memref<100352xf32, #tpu.memory_space<vmem_shared>>
      tpu.enqueue_indirect_dma source(%dma_start3A_18 : memref<100352xf32, #tpu.memory_space<vmem_shared>>) target(%arg13 : memref<2000xf32, #tpu.memory_space<vmem>>) offsets(%arg10 : memref<2000xi32, #tpu.memory_space<vmem>>) semaphore(%arg24 : memref<!tpu.dma_semaphore, #tpu.memory_space<semaphore_mem>>)
      %dma_start3A_19 = arith.constant 0 : i32
      %dma_start3A_20 = tpu.memref_slice %arg23[%dma_start3A_19] : memref<100352xf32, #tpu.memory_space<vmem_shared>> -> memref<100352xf32, #tpu.memory_space<vmem_shared>>
      tpu.enqueue_indirect_dma source(%dma_start3A_20 : memref<100352xf32, #tpu.memory_space<vmem_shared>>) target(%arg14 : memref<2000xf32, #tpu.memory_space<vmem>>) offsets(%arg10 : memref<2000xi32, #tpu.memory_space<vmem>>) semaphore(%arg24 : memref<!tpu.dma_semaphore, #tpu.memory_space<semaphore_mem>>)
      %dma_start3A_21 = arith.constant 0 : i32
      %dma_start3A_22 = tpu.memref_slice %arg21[%dma_start3A_21] : memref<100352xf32, #tpu.memory_space<vmem_shared>> -> memref<100352xf32, #tpu.memory_space<vmem_shared>>
      tpu.enqueue_indirect_dma source(%dma_start3A_22 : memref<100352xf32, #tpu.memory_space<vmem_shared>>) target(%arg15 : memref<2000xf32, #tpu.memory_space<vmem>>) offsets(%arg11 : memref<2000xi32, #tpu.memory_space<vmem>>) semaphore(%arg24 : memref<!tpu.dma_semaphore, #tpu.memory_space<semaphore_mem>>)
      %dma_start3A_23 = arith.constant 0 : i32
      %dma_start3A_24 = tpu.memref_slice %arg22[%dma_start3A_23] : memref<100352xf32, #tpu.memory_space<vmem_shared>> -> memref<100352xf32, #tpu.memory_space<vmem_shared>>
      tpu.enqueue_indirect_dma source(%dma_start3A_24 : memref<100352xf32, #tpu.memory_space<vmem_shared>>) target(%arg16 : memref<2000xf32, #tpu.memory_space<vmem>>) offsets(%arg11 : memref<2000xi32, #tpu.memory_space<vmem>>) semaphore(%arg24 : memref<!tpu.dma_semaphore, #tpu.memory_space<semaphore_mem>>)
      %dma_start3A_25 = arith.constant 0 : i32
      %dma_start3A_26 = tpu.memref_slice %arg23[%dma_start3A_25] : memref<100352xf32, #tpu.memory_space<vmem_shared>> -> memref<100352xf32, #tpu.memory_space<vmem_shared>>
      tpu.enqueue_indirect_dma source(%dma_start3A_26 : memref<100352xf32, #tpu.memory_space<vmem_shared>>) target(%arg17 : memref<2000xf32, #tpu.memory_space<vmem>>) offsets(%arg11 : memref<2000xi32, #tpu.memory_space<vmem>>) semaphore(%arg24 : memref<!tpu.dma_semaphore, #tpu.memory_space<semaphore_mem>>)
      %dma_wait3A = arith.constant 0 : i32
      %dma_wait3A_27 = tpu.memref_slice %arg21[%dma_wait3A] : memref<100352xf32, #tpu.memory_space<vmem_shared>> -> memref<100352xf32, #tpu.memory_space<vmem_shared>>
      tpu.wait_indirect_dma semaphore(%arg24 : memref<!tpu.dma_semaphore, #tpu.memory_space<semaphore_mem>>) src(%dma_wait3A_27 : memref<100352xf32, #tpu.memory_space<vmem_shared>>) dst(%arg12 : memref<2000xf32, #tpu.memory_space<vmem>>)
      %dma_wait3A_28 = arith.constant 0 : i32
      %dma_wait3A_29 = tpu.memref_slice %arg22[%dma_wait3A_28] : memref<100352xf32, #tpu.memory_space<vmem_shared>> -> memref<100352xf32, #tpu.memory_space<vmem_shared>>
      tpu.wait_indirect_dma semaphore(%arg24 : memref<!tpu.dma_semaphore, #tpu.memory_space<semaphore_mem>>) src(%dma_wait3A_29 : memref<100352xf32, #tpu.memory_space<vmem_shared>>) dst(%arg13 : memref<2000xf32, #tpu.memory_space<vmem>>)
      %dma_wait3A_30 = arith.constant 0 : i32
      %dma_wait3A_31 = tpu.memref_slice %arg23[%dma_wait3A_30] : memref<100352xf32, #tpu.memory_space<vmem_shared>> -> memref<100352xf32, #tpu.memory_space<vmem_shared>>
      tpu.wait_indirect_dma semaphore(%arg24 : memref<!tpu.dma_semaphore, #tpu.memory_space<semaphore_mem>>) src(%dma_wait3A_31 : memref<100352xf32, #tpu.memory_space<vmem_shared>>) dst(%arg14 : memref<2000xf32, #tpu.memory_space<vmem>>)
      %dma_wait3A_32 = arith.constant 0 : i32
      %dma_wait3A_33 = tpu.memref_slice %arg21[%dma_wait3A_32] : memref<100352xf32, #tpu.memory_space<vmem_shared>> -> memref<100352xf32, #tpu.memory_space<vmem_shared>>
      tpu.wait_indirect_dma semaphore(%arg24 : memref<!tpu.dma_semaphore, #tpu.memory_space<semaphore_mem>>) src(%dma_wait3A_33 : memref<100352xf32, #tpu.memory_space<vmem_shared>>) dst(%arg15 : memref<2000xf32, #tpu.memory_space<vmem>>)
      %dma_wait3A_34 = arith.constant 0 : i32
      %dma_wait3A_35 = tpu.memref_slice %arg22[%dma_wait3A_34] : memref<100352xf32, #tpu.memory_space<vmem_shared>> -> memref<100352xf32, #tpu.memory_space<vmem_shared>>
      tpu.wait_indirect_dma semaphore(%arg24 : memref<!tpu.dma_semaphore, #tpu.memory_space<semaphore_mem>>) src(%dma_wait3A_35 : memref<100352xf32, #tpu.memory_space<vmem_shared>>) dst(%arg16 : memref<2000xf32, #tpu.memory_space<vmem>>)
      %dma_wait3A_36 = arith.constant 0 : i32
      %dma_wait3A_37 = tpu.memref_slice %arg23[%dma_wait3A_36] : memref<100352xf32, #tpu.memory_space<vmem_shared>> -> memref<100352xf32, #tpu.memory_space<vmem_shared>>
      tpu.wait_indirect_dma semaphore(%arg24 : memref<!tpu.dma_semaphore, #tpu.memory_space<semaphore_mem>>) src(%dma_wait3A_37 : memref<100352xf32, #tpu.memory_space<vmem_shared>>) dst(%arg17 : memref<2000xf32, #tpu.memory_space<vmem>>)
      %scan3A_38 = arith.constant 0 : i32
      %scan3A_39 = arith.constant 0 : i32
      %scan3A_40 = arith.constant 125 : i32
      %scan3A_41 = arith.addi %scan3A_39, %scan3A_40 : i32
      %scan3A_42 = arith.constant 1 : i32
      scf.for %scan3A_46 = %scan3A_39 to %scan3A_41 step %scan3A_42  : i32 {
        %mul3A_47 = arith.constant 16 : i32
        %mul3A_48 = arith.muli %scan3A_46, %mul3A_47 : i32
        %add3A_49 = vector.broadcast %mul3A_48 : i32 to vector<16xi32>
        %add3A_50 = arith.addi %iota3A, %add3A_49 : vector<16xi32>
        %mul3A_51 = arith.constant 3 : i32
        %mul3A_52 = vector.broadcast %mul3A_51 : i32 to vector<16xi32>
        %mul3A_53 = arith.muli %add3A_50, %mul3A_52 : vector<16xi32>
        %get3A = arith.index_cast %mul3A_48 : i32 to index
        %get3A_54 = tpu.vector_load %arg15[%get3A] {strides = array<i32>} : memref<2000xf32, #tpu.memory_space<vmem>>, vector<16xf32>,
        %get3A_55 = arith.index_cast %mul3A_48 : i32 to index
        %get3A_56 = tpu.vector_load %arg12[%get3A_55] {strides = array<i32>} : memref<2000xf32, #tpu.memory_space<vmem>>, vector<16xf32>,
        %sub3A = arith.subf %get3A_54, %get3A_56 : vector<16xf32>
        %gather3A = tpu.vector_load_idx %arg18[%mul3A_53] : memref<6000xf32, #tpu.memory_space<vmem>>[vector<16xi32>], vector<16xf32>,
        %add3A_57 = arith.addf %sub3A, %gather3A : vector<16xf32>
        %get3A_58 = arith.index_cast %mul3A_48 : i32 to index
        %get3A_59 = tpu.vector_load %arg16[%get3A_58] {strides = array<i32>} : memref<2000xf32, #tpu.memory_space<vmem>>, vector<16xf32>,
        %get3A_60 = arith.index_cast %mul3A_48 : i32 to index
        %get3A_61 = tpu.vector_load %arg13[%get3A_60] {strides = array<i32>} : memref<2000xf32, #tpu.memory_space<vmem>>, vector<16xf32>,
        %sub3A_62 = arith.subf %get3A_59, %get3A_61 : vector<16xf32>
        %add3A_63 = arith.constant 1 : i32
        %add3A_64 = vector.broadcast %add3A_63 : i32 to vector<16xi32>
        %add3A_65 = arith.addi %mul3A_53, %add3A_64 : vector<16xi32>
        %gather3A_66 = tpu.vector_load_idx %arg18[%add3A_65] : memref<6000xf32, #tpu.memory_space<vmem>>[vector<16xi32>], vector<16xf32>,
        %add3A_67 = arith.addf %sub3A_62, %gather3A_66 : vector<16xf32>
        %get3A_68 = arith.index_cast %mul3A_48 : i32 to index
        %get3A_69 = tpu.vector_load %arg17[%get3A_68] {strides = array<i32>} : memref<2000xf32, #tpu.memory_space<vmem>>, vector<16xf32>,
        %get3A_70 = arith.index_cast %mul3A_48 : i32 to index
        %get3A_71 = tpu.vector_load %arg14[%get3A_70] {strides = array<i32>} : memref<2000xf32, #tpu.memory_space<vmem>>, vector<16xf32>,
        %sub3A_72 = arith.subf %get3A_69, %get3A_71 : vector<16xf32>
        %add3A_73 = arith.constant 2 : i32
        %add3A_74 = vector.broadcast %add3A_73 : i32 to vector<16xi32>
        %add3A_75 = arith.addi %mul3A_53, %add3A_74 : vector<16xi32>
        %gather3A_76 = tpu.vector_load_idx %arg18[%add3A_75] : memref<6000xf32, #tpu.memory_space<vmem>>[vector<16xi32>], vector<16xf32>,
        %add3A_77 = arith.addf %sub3A_72, %gather3A_76 : vector<16xf32>
        %mul3A_78 = arith.mulf %add3A_57, %add3A_57 : vector<16xf32>
        %mul3A_79 = arith.mulf %add3A_67, %add3A_67 : vector<16xf32>
        %add3A_80 = arith.addf %mul3A_78, %mul3A_79 : vector<16xf32>
        %mul3A_81 = arith.mulf %add3A_77, %add3A_77 : vector<16xf32>
        %add3A_82 = arith.addf %add3A_80, %mul3A_81 : vector<16xf32>
        %bitcast3A = vector.bitcast %add3A_82 : vector<16xf32> to vector<16xi32>
        %shift_right_arithmetic3A = arith.constant 1 : i32
        %shift_right_arithmetic3A_83 = vector.broadcast %shift_right_arithmetic3A : i32 to vector<16xi32>
        %shift_right_arithmetic3A_84 = arith.shrsi %bitcast3A, %shift_right_arithmetic3A_83 : vector<16xi32>
        %sub3A_85 = arith.constant 1597463007 : i32
        %sub3A_86 = vector.broadcast %sub3A_85 : i32 to vector<16xi32>
        %sub3A_87 = arith.subi %sub3A_86, %shift_right_arithmetic3A_84 : vector<16xi32>
        %bitcast3A_88 = vector.bitcast %sub3A_87 : vector<16xi32> to vector<16xf32>
        %mul3A_89 = arith.constant 5.000000e-01 : f32
        %mul3A_90 = vector.broadcast %mul3A_89 : f32 to vector<16xf32>
        %mul3A_91 = arith.mulf %add3A_82, %mul3A_90 : vector<16xf32>
        %mul3A_92 = arith.mulf %mul3A_91, %bitcast3A_88 : vector<16xf32>
        %mul3A_93 = arith.mulf %mul3A_92, %bitcast3A_88 : vector<16xf32>
        %sub3A_94 = arith.constant 1.500000e+00 : f32
        %sub3A_95 = vector.broadcast %sub3A_94 : f32 to vector<16xf32>
        %sub3A_96 = arith.subf %sub3A_95, %mul3A_93 : vector<16xf32>
        %mul3A_97 = arith.mulf %bitcast3A_88, %sub3A_96 : vector<16xf32>
        %mul3A_98 = arith.mulf %mul3A_91, %mul3A_97 : vector<16xf32>
        %mul3A_99 = arith.mulf %mul3A_98, %mul3A_97 : vector<16xf32>
        %sub3A_100 = arith.constant 1.500000e+00 : f32
        %sub3A_101 = vector.broadcast %sub3A_100 : f32 to vector<16xf32>
        %sub3A_102 = arith.subf %sub3A_101, %mul3A_99 : vector<16xf32>
        %mul3A_103 = arith.mulf %mul3A_97, %sub3A_102 : vector<16xf32>
        %mul3A_104 = arith.mulf %mul3A_91, %mul3A_103 : vector<16xf32>
        %mul3A_105 = arith.mulf %mul3A_104, %mul3A_103 : vector<16xf32>
        %sub3A_106 = arith.constant 1.500000e+00 : f32
        %sub3A_107 = vector.broadcast %sub3A_106 : f32 to vector<16xf32>
        %sub3A_108 = arith.subf %sub3A_107, %mul3A_105 : vector<16xf32>
        %mul3A_109 = arith.mulf %mul3A_103, %sub3A_108 : vector<16xf32>
        %mul3A_110 = arith.mulf %add3A_82, %mul3A_109 : vector<16xf32>
        %swap3A = arith.index_cast %mul3A_48 : i32 to index
        %swap3A_111 = tpu.vector_load %arg19[%swap3A] {strides = array<i32>} : memref<2000xf32, #tpu.memory_space<vmem>>, vector<16xf32>,
        tpu.vector_store %arg19[%swap3A], %mul3A_110 {strides = array<i32>} : memref<2000xf32, #tpu.memory_space<vmem>>, vector<16xf32>,
        %mul3A_112 = arith.mulf %add3A_57, %mul3A_109 : vector<16xf32>
        tpu.vector_store_idx %arg20[%mul3A_53], %mul3A_112 : memref<6000xf32, #tpu.memory_space<vmem>>[vector<16xi32>], vector<16xf32>,
        %add3A_113 = arith.constant 1 : i32
        %add3A_114 = vector.broadcast %add3A_113 : i32 to vector<16xi32>
        %add3A_115 = arith.addi %mul3A_53, %add3A_114 : vector<16xi32>
        %mul3A_116 = arith.mulf %add3A_67, %mul3A_109 : vector<16xf32>
        tpu.vector_store_idx %arg20[%add3A_115], %mul3A_116 : memref<6000xf32, #tpu.memory_space<vmem>>[vector<16xi32>], vector<16xf32>,
        %add3A_117 = arith.constant 2 : i32
        %add3A_118 = vector.broadcast %add3A_117 : i32 to vector<16xi32>
        %add3A_119 = arith.addi %mul3A_53, %add3A_118 : vector<16xi32>
        %mul3A_120 = arith.mulf %add3A_77, %mul3A_109 : vector<16xf32>
        tpu.vector_store_idx %arg20[%add3A_119], %mul3A_120 : memref<6000xf32, #tpu.memory_space<vmem>>[vector<16xi32>], vector<16xf32>,
      }
      %scan3A_43 = arith.constant 125 : i32
      "tpu.region"() ({
        %run_scoped3A = tpu.sem_alloc : memref<!tpu.dma_semaphore, #tpu.memory_space<semaphore_mem>>
        %dma_start3A_46 = tpu.memref_slice %arg8[%add3A_13] : memref<6400000xf32, #tpu.memory_space<hbm>> -> memref<2000xf32, #tpu.memory_space<hbm>>
        %dma_start3A_47 = tpu.memref_slice %arg8[%add3A_13] : memref<6400000xf32, #tpu.memory_space<hbm>> -> memref<2000xf32, #tpu.memory_space<hbm>>
        tpu.enqueue_dma source(%arg19 : memref<2000xf32, #tpu.memory_space<vmem>>) target(%dma_start3A_47 : memref<2000xf32, #tpu.memory_space<hbm>>) target_semaphore(%run_scoped3A : memref<!tpu.dma_semaphore, #tpu.memory_space<semaphore_mem>>)
        %dma_wait3A_48 = tpu.memref_slice %arg8[%add3A_13] : memref<6400000xf32, #tpu.memory_space<hbm>> -> memref<2000xf32, #tpu.memory_space<hbm>>
        %dma_wait3A_49 = tpu.memref_slice %arg8[%add3A_13] : memref<6400000xf32, #tpu.memory_space<hbm>> -> memref<2000xf32, #tpu.memory_space<hbm>>
        tpu.wait_dma2 semaphore(%run_scoped3A : memref<!tpu.dma_semaphore, #tpu.memory_space<semaphore_mem>>) src(%arg19 : memref<2000xf32, #tpu.memory_space<vmem>>) dst(%dma_wait3A_49 : memref<2000xf32, #tpu.memory_space<hbm>>)
        tpu.yield
      }) : () -> ()
      %mul3A_44 = arith.constant 3 : i32
      %mul3A_45 = arith.muli %mul3A_44, %add3A_13 : i32
      "tpu.region"() ({
        %run_scoped3A = tpu.sem_alloc : memref<!tpu.dma_semaphore, #tpu.memory_space<semaphore_mem>>
        %dma_start3A_46 = tpu.memref_slice %arg9[%mul3A_45] : memref<19200000xf32, #tpu.memory_space<hbm>> -> memref<6000xf32, #tpu.memory_space<hbm>>
        %dma_start3A_47 = tpu.memref_slice %arg9[%mul3A_45] : memref<19200000xf32, #tpu.memory_space<hbm>> -> memref<6000xf32, #tpu.memory_space<hbm>>
        tpu.enqueue_dma source(%arg20 : memref<6000xf32, #tpu.memory_space<vmem>>) target(%dma_start3A_47 : memref<6000xf32, #tpu.memory_space<hbm>>) target_semaphore(%run_scoped3A : memref<!tpu.dma_semaphore, #tpu.memory_space<semaphore_mem>>)
        %dma_wait3A_48 = tpu.memref_slice %arg9[%mul3A_45] : memref<19200000xf32, #tpu.memory_space<hbm>> -> memref<6000xf32, #tpu.memory_space<hbm>>
        %dma_wait3A_49 = tpu.memref_slice %arg9[%mul3A_45] : memref<19200000xf32, #tpu.memory_space<hbm>> -> memref<6000xf32, #tpu.memory_space<hbm>>
        tpu.wait_dma2 semaphore(%run_scoped3A : memref<!tpu.dma_semaphore, #tpu.memory_space<semaphore_mem>>) src(%arg20 : memref<6000xf32, #tpu.memory_space<vmem>>) dst(%dma_wait3A_49 : memref<6000xf32, #tpu.memory_space<hbm>>)
        tpu.yield
      }) : () -> ()
    }
    %scan3A_7 = arith.constant 100 : i32
    return
  }
}

module attributes {stable_mosaic.version = 14 : i64} {
  func.func @_tc_emb(%arg0: i32, %arg1: memref<1000x128xf32, #tpu.memory_space<vmem>>, %arg2: memref<1000x1024xf32, #tpu.memory_space<vmem>>) attributes {dimension_semantics = [#tpu.dimension_semantics<arbitrary>], iteration_bounds = array<i64: 50>, scalar_prefetch = 0 : i64, scratch_operands = 0 : i64, tpu.core_type = #tpu.core_type<tc>, window_params = [{transform_indices = @transform_0, window_bounds = array<i64: 1000, 128>}, {transform_indices = @transform_1, window_bounds = array<i64: 1000, 1024>}]} {
    %get3A = arith.constant 0 : index
    %get3A_0 = arith.constant 0 : index
    %get3A_1 = vector.load %arg1[%get3A, %get3A_0] : memref<1000x128xf32, #tpu.memory_space<vmem>>, vector<1000x128xf32>
    %mul3A = arith.constant 2.000000e-01 : f32
    %mul3A_2 = vector.broadcast %mul3A : f32 to vector<1000x128xf32>
    %mul3A_3 = arith.mulf %get3A_1, %mul3A_2 : vector<1000x128xf32>
    %mul3A_4 = arith.mulf %mul3A_3, %mul3A_3 : vector<1000x128xf32>
    %mul3A_5 = arith.mulf %mul3A_4, %mul3A_3 : vector<1000x128xf32>
    %mul3A_6 = arith.mulf %mul3A_5, %mul3A_5 : vector<1000x128xf32>
    %mul3A_7 = arith.constant 4.800000e+01 : f32
    %mul3A_8 = vector.broadcast %mul3A_7 : f32 to vector<1000x128xf32>
    %mul3A_9 = arith.mulf %mul3A_8, %mul3A_3 : vector<1000x128xf32>
    %add3A = arith.constant -2.800000e+01 : f32
    %add3A_10 = vector.broadcast %add3A : f32 to vector<1000x128xf32>
    %add3A_11 = arith.addf %add3A_10, %mul3A_9 : vector<1000x128xf32>
    %mul3A_12 = arith.constant 2.100000e+01 : f32
    %mul3A_13 = vector.broadcast %mul3A_12 : f32 to vector<1000x128xf32>
    %mul3A_14 = arith.mulf %mul3A_13, %mul3A_4 : vector<1000x128xf32>
    %sub3A = arith.subf %add3A_11, %mul3A_14 : vector<1000x128xf32>
    %mul3A_15 = arith.mulf %mul3A_6, %sub3A : vector<1000x128xf32>
    %add3A_16 = arith.constant 1.000000e+00 : f32
    %add3A_17 = vector.broadcast %add3A_16 : f32 to vector<1000x128xf32>
    %add3A_18 = arith.addf %add3A_17, %mul3A_15 : vector<1000x128xf32>
    %lt3A = arith.constant 5.000000e+00 : f32
    %lt3A_19 = vector.broadcast %lt3A : f32 to vector<1000x128xf32>
    %lt3A_20 = arith.cmpf olt, %get3A_1, %lt3A_19 : vector<1000x128xf32>
    %jit3A = arith.constant 0.000000e+00 : f32
    %broadcast_in_dim3A = vector.broadcast %jit3A : f32 to vector<1000x128xf32>
    %select_n3A = arith.select %lt3A_20, %add3A_18, %broadcast_in_dim3A : vector<1000x128xi1>, vector<1000x128xf32>
    %mul3A_21 = arith.constant 0.632455527 : f32
    %mul3A_22 = vector.broadcast %mul3A_21 : f32 to vector<1000x128xf32>
    %mul3A_23 = arith.mulf %mul3A_22, %select_n3A : vector<1000x128xf32>
    %div3A = arith.divf %mul3A_23, %get3A_1 : vector<1000x128xf32>
    %mul3A_24 = arith.constant 0.628318548 : f32
    %mul3A_25 = vector.broadcast %mul3A_24 : f32 to vector<1000x128xf32>
    %mul3A_26 = arith.mulf %get3A_1, %mul3A_25 : vector<1000x128xf32>
    %mul3A_27 = arith.constant 1.000000e+00 : f32
    %mul3A_28 = vector.broadcast %mul3A_27 : f32 to vector<1000x128xf32>
    %mul3A_29 = arith.mulf %mul3A_26, %mul3A_28 : vector<1000x128xf32>
    %sin3A = math.sin %mul3A_29 : vector<1000x128xf32>
    %mul3A_30 = arith.mulf %sin3A, %div3A : vector<1000x128xf32>
    %swap3A = arith.constant 0 : index
    %swap3A_31 = arith.constant 0 : index
    %swap3A_32 = vector.load %arg2[%swap3A, %swap3A_31] : memref<1000x1024xf32, #tpu.memory_space<vmem>>, vector<1000x128xf32>
    tpu.vector_store %arg2[%swap3A, %swap3A_31], %mul3A_30 {strides = array<i32>} : memref<1000x1024xf32, #tpu.memory_space<vmem>>, vector<1000x128xf32>,
    %mul3A_33 = arith.constant 2.000000e+00 : f32
    %mul3A_34 = vector.broadcast %mul3A_33 : f32 to vector<1000x128xf32>
    %mul3A_35 = arith.mulf %mul3A_26, %mul3A_34 : vector<1000x128xf32>
    %sin3A_36 = math.sin %mul3A_35 : vector<1000x128xf32>
    %mul3A_37 = arith.mulf %sin3A_36, %div3A : vector<1000x128xf32>
    %swap3A_38 = arith.constant 0 : index
    %swap3A_39 = arith.constant 128 : index
    %swap3A_40 = vector.load %arg2[%swap3A_38, %swap3A_39] : memref<1000x1024xf32, #tpu.memory_space<vmem>>, vector<1000x128xf32>
    tpu.vector_store %arg2[%swap3A_38, %swap3A_39], %mul3A_37 {strides = array<i32>} : memref<1000x1024xf32, #tpu.memory_space<vmem>>, vector<1000x128xf32>,
    %mul3A_41 = arith.constant 3.000000e+00 : f32
    %mul3A_42 = vector.broadcast %mul3A_41 : f32 to vector<1000x128xf32>
    %mul3A_43 = arith.mulf %mul3A_26, %mul3A_42 : vector<1000x128xf32>
    %sin3A_44 = math.sin %mul3A_43 : vector<1000x128xf32>
    %mul3A_45 = arith.mulf %sin3A_44, %div3A : vector<1000x128xf32>
    %swap3A_46 = arith.constant 0 : index
    %swap3A_47 = arith.constant 256 : index
    %swap3A_48 = vector.load %arg2[%swap3A_46, %swap3A_47] : memref<1000x1024xf32, #tpu.memory_space<vmem>>, vector<1000x128xf32>
    tpu.vector_store %arg2[%swap3A_46, %swap3A_47], %mul3A_45 {strides = array<i32>} : memref<1000x1024xf32, #tpu.memory_space<vmem>>, vector<1000x128xf32>,
    %mul3A_49 = arith.constant 4.000000e+00 : f32
    %mul3A_50 = vector.broadcast %mul3A_49 : f32 to vector<1000x128xf32>
    %mul3A_51 = arith.mulf %mul3A_26, %mul3A_50 : vector<1000x128xf32>
    %sin3A_52 = math.sin %mul3A_51 : vector<1000x128xf32>
    %mul3A_53 = arith.mulf %sin3A_52, %div3A : vector<1000x128xf32>
    %swap3A_54 = arith.constant 0 : index
    %swap3A_55 = arith.constant 384 : index
    %swap3A_56 = vector.load %arg2[%swap3A_54, %swap3A_55] : memref<1000x1024xf32, #tpu.memory_space<vmem>>, vector<1000x128xf32>
    tpu.vector_store %arg2[%swap3A_54, %swap3A_55], %mul3A_53 {strides = array<i32>} : memref<1000x1024xf32, #tpu.memory_space<vmem>>, vector<1000x128xf32>,
    %mul3A_57 = arith.constant 5.000000e+00 : f32
    %mul3A_58 = vector.broadcast %mul3A_57 : f32 to vector<1000x128xf32>
    %mul3A_59 = arith.mulf %mul3A_26, %mul3A_58 : vector<1000x128xf32>
    %sin3A_60 = math.sin %mul3A_59 : vector<1000x128xf32>
    %mul3A_61 = arith.mulf %sin3A_60, %div3A : vector<1000x128xf32>
    %swap3A_62 = arith.constant 0 : index
    %swap3A_63 = arith.constant 512 : index
    %swap3A_64 = vector.load %arg2[%swap3A_62, %swap3A_63] : memref<1000x1024xf32, #tpu.memory_space<vmem>>, vector<1000x128xf32>
    tpu.vector_store %arg2[%swap3A_62, %swap3A_63], %mul3A_61 {strides = array<i32>} : memref<1000x1024xf32, #tpu.memory_space<vmem>>, vector<1000x128xf32>,
    %mul3A_65 = arith.constant 6.000000e+00 : f32
    %mul3A_66 = vector.broadcast %mul3A_65 : f32 to vector<1000x128xf32>
    %mul3A_67 = arith.mulf %mul3A_26, %mul3A_66 : vector<1000x128xf32>
    %sin3A_68 = math.sin %mul3A_67 : vector<1000x128xf32>
    %mul3A_69 = arith.mulf %sin3A_68, %div3A : vector<1000x128xf32>
    %swap3A_70 = arith.constant 0 : index
    %swap3A_71 = arith.constant 640 : index
    %swap3A_72 = vector.load %arg2[%swap3A_70, %swap3A_71] : memref<1000x1024xf32, #tpu.memory_space<vmem>>, vector<1000x128xf32>
    tpu.vector_store %arg2[%swap3A_70, %swap3A_71], %mul3A_69 {strides = array<i32>} : memref<1000x1024xf32, #tpu.memory_space<vmem>>, vector<1000x128xf32>,
    %mul3A_73 = arith.constant 7.000000e+00 : f32
    %mul3A_74 = vector.broadcast %mul3A_73 : f32 to vector<1000x128xf32>
    %mul3A_75 = arith.mulf %mul3A_26, %mul3A_74 : vector<1000x128xf32>
    %sin3A_76 = math.sin %mul3A_75 : vector<1000x128xf32>
    %mul3A_77 = arith.mulf %sin3A_76, %div3A : vector<1000x128xf32>
    %swap3A_78 = arith.constant 0 : index
    %swap3A_79 = arith.constant 768 : index
    %swap3A_80 = vector.load %arg2[%swap3A_78, %swap3A_79] : memref<1000x1024xf32, #tpu.memory_space<vmem>>, vector<1000x128xf32>
    tpu.vector_store %arg2[%swap3A_78, %swap3A_79], %mul3A_77 {strides = array<i32>} : memref<1000x1024xf32, #tpu.memory_space<vmem>>, vector<1000x128xf32>,
    %mul3A_81 = arith.constant 8.000000e+00 : f32
    %mul3A_82 = vector.broadcast %mul3A_81 : f32 to vector<1000x128xf32>
    %mul3A_83 = arith.mulf %mul3A_26, %mul3A_82 : vector<1000x128xf32>
    %sin3A_84 = math.sin %mul3A_83 : vector<1000x128xf32>
    %mul3A_85 = arith.mulf %sin3A_84, %div3A : vector<1000x128xf32>
    %swap3A_86 = arith.constant 0 : index
    %swap3A_87 = arith.constant 896 : index
    %swap3A_88 = vector.load %arg2[%swap3A_86, %swap3A_87] : memref<1000x1024xf32, #tpu.memory_space<vmem>>, vector<1000x128xf32>
    tpu.vector_store %arg2[%swap3A_86, %swap3A_87], %mul3A_85 {strides = array<i32>} : memref<1000x1024xf32, #tpu.memory_space<vmem>>, vector<1000x128xf32>,
    return
  }
  func.func @transform_0(%arg0: i32) -> (i32, i32) {
    %c0_i32 = arith.constant 0 : i32
    %c0_i32_0 = arith.constant 0 : i32
    return %arg0, %c0_i32 : i32, i32
  }
  func.func @transform_1(%arg0: i32) -> (i32, i32) {
    %c0_i32 = arith.constant 0 : i32
    %c0_i32_0 = arith.constant 0 : i32
    return %arg0, %c0_i32 : i32, i32
  }
}

</mosaic_0001>

<sc_bundles>
// kernel: kernel.4.cloned.1.call-start
scs
__scs_entry_jumppad:
0x0: {  	(pc) =	sbr.rel $0x88, $3  }
0x1: {  	(tag) =	ssettag $0x0;
	lr =	simm.s32 $0x1  }
0x2: {  	[smem:$0x3F9E] =	sst lr;
	_ =	strace $0xD0000000  }
0x3: {  	_ = 	snop  }
0x4: {  	_ = 	snop  }
0x5: {  	_ = 	snop  }
0x6: {  	_ = 	snop  }
0x7: {  	_ = 	snop  }
__scs_overlays_trampoline_lowered:
0x8: {  	[smem:$0x3FAD] =	sst s0  }
0x9: {  	[smem:$0x3FAE] =	sst s1  }
0xa: {  	[smem:$0x3FAF] =	sst s2  }
0xb: {  	[smem:$0x3FB0] =	sst s3  }
0xc: {  	[smem:$0x3FB1] =	sst s4  }
0xd: {  	[smem:$0x3FB2] =	sst s5  }
0xe: {  	[smem:$0x3FB3] =	sst s6  }
0xf: {  	[smem:$0x3FB4] =	sst s7  }
0x10: {  	[smem:$0x3FB5] =	sst s8  }
0x11: {  	[smem:$0x3FB6] =	sst s9;
	s0 =	simm.s32 @!p0 $0x0  }
0x12: {  	s1 =	sld [smem:$0x3F9C];
	s0 =	simm.s32 @p0 $0x1  }
0x13: {  	[smem:$0x3FB7] =	sst s0;
	s0 =	simm.s32 @!p1 $0x0  }
0x14: {  	s2 =	sld [smem:$0x3F9B];
	s0 =	simm.s32 @p1 $0x1  }
0x15: {  	[smem:$0x3FB8] =	sst s0;
	s0 =	simm.s32 @!p2 $0x0  }
0x16: {  	s3 =	sld [smem:$0x3FDB];
	s0 =	simm.s32 @p2 $0x1  }
0x17: {  	s4 =	simm.s32 $0x1BF5;
	[smem:$0x3FBA] =	sst s0  }
0x18: {  	s0 =	sld [smem:$0x3F9D];
	_ =	swait.ge [sflag:s4], $0x0  }
0x19: {  	s7 =	sld [smem:$0x3F9E]  }
0x1a: {  	s8 =	sadd.s32 $0xFFFFE003, lr  }
0x1b: {  	s9 =	sadd.s32 $0xFFFFFEF7, lr;
	s5 =	simm.s32 $0xFFFFFFFF;
	p2 =	slt.u32 s8, $0xFFFFF086  }
0x1c: {  	p1 =	slt.u32 s9, $0xF7A;
	s5 =	simm.s32 @!p2 $0x0  }
0x1d: {  	s5 =	simm.s32 @p1 $0x1;
	p0 =	seq.s32 s7, s2  }
0x1e: {  	s7 =	smul.u32 @!p0 $0xF7A, s2;
	p2 =	seq.s32 @!p0 s5, $0x0  }
0x1f: {  	s9 =	smul.u32 $0xF7A, s1;
	s8 =	simm.s32 @!p0 $0x1BF5;
	p2 =	por !p2, p0  }
0x20: {  	[sflag:s8] =	ssyncset.s32 @!p0 $0xFFFFF086;
	s6 =	sadd.s32 @!p0 s3, s7;
	s7 =	simm.s32 @!p0 $0x108  }
0x21: {  	s3 =	sadd.s32 s3, s9;
	s6 =	sadd.s32 @!p0 $0x88, s6;
	s7 =	simm.s32 @p2 $0x1082  }
0x22: {  	[simem:s7], [sflag:s8] =	dma.local @!p0 [hbm:s6], $0xF7A  }
0x23: {  	s9 =	sor.u32 $0xD0000000, s2;
	s6 =	simm.s32 $0x108;
	_ =	swait.ge @!p0 [sflag:s8], $0x0  }
0x24: {  	s3 =	sadd.s32 $0x88, s3;
	s6 =	simm.s32 @!p1 $0x1082;
	[sflag:s4] =	ssyncset.s32 $0xFFFFF086  }
0x25: {  	[simem:s6], [sflag:s4] =	dma.local [hbm:s3], $0xF7A  }
0x26: {  	[smem:$0x3F9E] =	sst s1;
	(tag) =	ssettag s2;
	_ =	strace s9  }
0x27: {  	s1 =	sld [smem:$0x3FAE]  }
0x28: {  	s2 =	sld [smem:$0x3FAF]  }
0x29: {  	s4 =	sld [smem:$0x3FB1]  }
0x2a: {  	p0 =	seq.s32 s5, $0x0;
	s5 =	sld [smem:$0x3FB2]  }
0x2b: {  	s6 =	sld [smem:$0x3FB3]  }
0x2c: {  	s7 =	sld [smem:$0x3FB4]  }
0x2d: {  	s3 =	simm.s32 $0x108;
	s8 =	sld [smem:$0x3FB5]  }
0x2e: {  	s3 =	simm.s32 @!p0 $0x1082;
	s9 =	sld [smem:$0x3FB6]  }
0x2f: {  	lr =	sadd.s32 s0, s3;
	s0 =	sld [smem:$0x3FAD]  }
0x30: {  	s3 =	sld [smem:$0x3FB0]  }
0x31: {  	[smem:$0x3FB9] =	sst s10  }
0x32: {  	s10 =	sld [smem:$0x3FB7];
	_ =	sdelay $0x3  }
0x33: {  	p0 =	seq.s32 s10, $0x1;
	s10 =	sld [smem:$0x3FB9];
	_ =	sdelay $0x3  }
0x34: {  	[smem:$0x3FB9] =	sst s10  }
0x35: {  	s10 =	sld [smem:$0x3FB8];
	_ =	sdelay $0x3  }
0x36: {  	p1 =	seq.s32 s10, $0x1;
	s10 =	sld [smem:$0x3FB9];
	_ =	sdelay $0x3  }
0x37: {  	[smem:$0x3FB9] =	sst s10  }
0x38: {  	s10 =	sld [smem:$0x3FBA]  }
0x39: {  	_ = 	snop;
	(pc) =	sbr.ind lr, $3  }
0x3a: {  	_ = 	snop  }
0x3b: {  	_ = 	snop  }
0x3c: {  	p2 =	seq.s32 s10, $0x1;
	s10 =	sld [smem:$0x3FB9]  }
0x3d: {  	_ =	shalt  }
0x3e: {  	_ =	shalt  }
0x3f: {  	_ =	shalt  }
0x40: {  	_ =	shalt  }
0x41: {  	_ =	shalt  }
0x42: {  	_ =	shalt  }
0x43: {  	_ =	shalt  }
0x44: {  	_ =	shalt  }
0x45: {  	_ =	shalt  }
0x46: {  	_ =	shalt  }
0x47: {  	_ =	shalt  }
0x48: {  	_ =	shalt  }
0x49: {  	_ =	shalt  }
0x4a: {  	_ =	shalt  }
0x4b: {  	_ =	shalt  }
0x4c: {  	_ =	shalt  }
0x4d: {  	_ =	shalt  }
0x4e: {  	_ =	shalt  }
0x4f: {  	_ =	shalt  }
0x50: {  	_ =	shalt  }
0x51: {  	_ =	shalt  }
0x52: {  	_ =	shalt  }
0x53: {  	_ =	shalt  }
0x54: {  	_ =	shalt  }
0x55: {  	_ =	shalt  }
0x56: {  	_ =	shalt  }
0x57: {  	_ =	shalt  }
0x58: {  	_ =	shalt  }
0x59: {  	_ =	shalt  }
0x5a: {  	_ =	shalt  }
0x5b: {  	_ =	shalt  }
0x5c: {  	_ =	shalt  }
0x5d: {  	_ =	shalt  }
0x5e: {  	_ =	shalt  }
0x5f: {  	_ =	shalt  }
0x60: {  	_ =	shalt  }
0x61: {  	_ =	shalt  }
0x62: {  	_ =	shalt  }
0x63: {  	_ =	shalt  }
0x64: {  	_ =	shalt  }
0x65: {  	_ =	shalt  }
0x66: {  	_ =	shalt  }
0x67: {  	_ =	shalt  }
0x68: {  	_ =	shalt  }
0x69: {  	_ =	shalt  }
0x6a: {  	_ =	shalt  }
0x6b: {  	_ =	shalt  }
0x6c: {  	_ =	shalt  }
0x6d: {  	_ =	shalt  }
0x6e: {  	_ =	shalt  }
0x6f: {  	_ =	shalt  }
0x70: {  	_ =	shalt  }
0x71: {  	_ =	shalt  }
0x72: {  	_ =	shalt  }
0x73: {  	_ =	shalt  }
0x74: {  	_ =	shalt  }
0x75: {  	_ =	shalt  }
0x76: {  	_ =	shalt  }
0x77: {  	_ =	shalt  }
0x78: {  	_ =	shalt  }
0x79: {  	_ =	shalt  }
0x7a: {  	_ =	shalt  }
0x7b: {  	_ =	shalt  }
0x7c: {  	_ =	shalt  }
0x7d: {  	_ =	shalt  }
0x7e: {  	_ =	shalt  }
0x7f: {  	_ =	shalt  }
0x80: {  	_ =	shalt  }
0x81: {  	_ =	shalt  }
0x82: {  	_ =	shalt  }
0x83: {  	_ =	shalt  }
0x84: {  	_ =	shalt  }
0x85: {  	_ =	shalt  }
0x86: {  	_ =	shalt  }
0x87: {  	_ =	shalt  }
.Lfunc_end0:
.L_simem_size_0:
called_computation.2_lowered:
.L_overlay_start_0:
0x88: {  	s2 =	sld [smem:$0x3FD9]  }
0x89: {  	s3 =	sld [smem:$0x3FFE];
	_ =	sdelay $0x1  }
0x8a: {  	s1 =	srdreg.scid  }
0x8b: {  	s0 =	sand.u32 $0x1, s1  }
0x8c: {  	s14 =	sshll.u32 s0, $0xA;
	s2 =	sadd.s32 s3, s2  }
0x8d: {  	s2 =	sadd.s32 s2, s14  }
0x8e: {  	[smem:$0x3FC5] =	sst s2  }
0x8f: {  	_ = 	snop  }
0x90: {  	s2 =	sld [smem:$0x3FD0];
	_ =	sdelay $0x2  }
0x91: {  	s15 =	simm.s32 $0xB;
	s4 =	simm.s32 $0x10  }
0x92: {  	[smem:s4], [sflag:s15] =	dma.local [hbm:s2], $0x1  }
0x93: {  	_ =	swait.eq [sflag:s15], $0x1  }
0x94: {  	s16 =	sld [smem:$0x10];
	[sflag:s15] =	ssyncset.done $0x0  }
0x95: {  	s17 =	sld [smem:$0x11];
	[sflag:s15] =	ssyncadd.s32 $0xFFFFFFFF  }
0x96: {  	s18 =	sld [smem:$0x12];
	(tm) =	ssettm $0x1  }
0x97: {  	s5 =	sld [smem:$0x3FFB];
	_ =	sdelay $0x3  }
0x98: {  	_ =	strace s5  }
0x99: {  	s5 =	sld [smem:$0x3FFC];
	_ =	sdelay $0x3  }
0x9a: {  	_ =	strace s5  }
0x9b: {  	s5 =	sld [smem:$0x3FFD];
	_ =	sdelay $0x3  }
0x9c: {  	_ =	strace s5  }
0x9d: {  	_ =	strace $0x8FFFFFFF  }
0x9e: {  	s19 =	sld [smem:$0x3FDB];
	_ =	sdelay $0x1  }
0x9f: {  	s6 =	simm.s32 $_scs_section_size  }
0xa0: {  	s7 =	simm.s32 $_size__tile_overlayer_lowered;
	s8 =	simm.s32 $_tile_overlayer_lowered  }
0xa1: {  	s22 =	simm.s32 $0x1BFF;
	s21 =	sshll.u32 s8, $0x1;
	s5 =	sadd.s32 s6, s19  }
0xa2: {  	s9 =	simm.s32 $0x0;
	s20 =	sshll.u32 s7, $0x1;
	s7 =	sadd.s32 s21, s5  }
0xa3: {  	[timem:s9], [sflag:s22] =	dma.local [hbm:s7], s20  }
0xa4: {  	_ =	swait.ge [sflag:s22], s20  }
0xa5: {  	s6 =	ssub.s32 $0x0, s20;
	[sflag:s22] =	ssyncset.done $0x0  }
0xa6: {  	[sflag:s22] =	ssyncadd.s32 s6;
	_ =	sdelay $0x1  }
0xa7: {  	s23 =	simm.s32 $0x1B8B  }
0xa8: {  	_ =	swait.ge [sflag:s23], $0x1  }
0xa9: {  	[sflag:s23] =	ssyncset.done $0x0  }
0xaa: {  	s25 =	simm.s32 $0x1B8E;
	s24 =	sld [smem:$0x3FFE];
	[sflag:s23] =	ssyncadd.s32 $0xFFFFFFFF  }
0xab: {  	s26 =	simm.s32 $execute0_lowered;
	[smem:$0x3FD2] =	sst s25  }
0xac: {  	s7 =	sshll.u32 s26, $0x1;
	_ =	strace $0x80000046;
	[dreg:$0x1] =	wrdreg $0xFFFFFFFF  }
0xad: {  	s28 =	simm.s32 $_size_execute0_lowered;
	s5 =	sadd.s32 s5, s7;
	[dreg:$0x0] =	wrdreg $0x0  }
0xae: {  	s7 =	sshll.u32 s28, $0x1;
	[dreg:$0x2] =	wrdreg s5  }
0xaf: {  	[dreg:$0x3] =	wrdreg s7  }
0xb0: {  	[dreg:$0x4] =	wrdreg $0xC0  }
0xb1: {  	_ =	task [dreg:s9], $0x5FFFF  }
0xb2: {  	[dreg:$0x1] =	wrdreg $0xFFFFFFFF  }
0xb3: {  	[dreg:$0x0] =	wrdreg $0x60  }
0xb4: {  	[dreg:$0x2] =	wrdreg s24  }
0xb5: {  	[dreg:$0x3] =	wrdreg s17  }
0xb6: {  	[dreg:$0x4] =	wrdreg s18  }
0xb7: {  	[dreg:$0x5] =	wrdreg s16  }
0xb8: {  	[dreg:$0x6] =	wrdreg $0x77000  }
0xb9: {  	[dreg:$0x7] =	wrdreg $0x8F800  }
0xba: {  	[dreg:$0x8] =	wrdreg $0xA8000  }
0xbb: {  	[dreg:$0x9] =	wrdreg $0x9  }
0xbc: {  	_ =	task.clear_ibuf [dreg:s9], $0xAFFFF;
	_ =	strace $0x90000046  }
0xbd: {  	s29 =	simm.s32 $0x9;
	_ =	strace $0x80000048  }
0xbe: {  	_ =	swait.ge [sflag:s29], $0x1  }
0xbf: {  	[sflag:s29] =	ssyncadd.s32 $0xFFFFFFFF  }
0xc0: {  	_ =	strace $0x90000048  }
0xc1: {  	_ =	sfence  }
0xc2: {  	s30 =	sld [smem:$0x0];
	_ =	sdelay $0x2  }
0xc3: {  	s31 =	sshll.u32 s1, $0xD;
	s1 =	sshrl.u32 s1, $0x2  }
0xc4: {  	s3 =	sand.u32 $0x4000, s31;
	s1 =	sadd.s32 s1, s30  }
0xc5: {  	s0 =	sor.u32 s3, s0;
	s1 =	sshll.u32 s1, $0x11  }
0xc6: {  	s0 =	sor.u32 s1, s0  }
0xc7: {  	s0 =	sadd.s32 $0x8F2B, s0  }
0xc8: {  	[sflag:s0] =	ssyncadd.remote.s32 $0x1  }
0xc9: {  	_ =	sfence.sel $0xFFFF  }
0xca: {  	[dreg:$0x0] =	wrdreg $0xFFFFFFFF;
	(pc) =	sbr.abs _section_cstart, $3  }
0xcb: {  	[dreg:$0x1] =	wrdreg $0xFFFFFFFF  }
0xcc: {  	_ =	task.clear_ibuf [dreg:s9], $0x2FFFF;
	_ =	strace $0x9FFFFFFF  }
0xcd: {  	(tm) =	ssettm $0x7FFFFFFF  }
tec
execute0_lowered:
.L_overlay_start_1:
0x0: {  	(tag) =	ssettag $0x1  }
0x1: {  	s1 =	rddreg [dreg:$0x0]  }
0x2: {  	s0 =	rddreg [dreg:$0x1]  }
0x3: {  	s2 =	rddreg [dreg:$0x2]  }
0x4: {  	s4 =	rddreg [dreg:$0x3]  }
0x5: {  	s5 =	rddreg [dreg:$0x4]  }
0x6: {  	s6 =	rddreg [dreg:$0x5];
	s16 =	stileid.u32  }
0x7: {  	s7 =	rddreg [dreg:$0x6];
	s8 =	simm.s32 $0x0;
	s9 =	srdreg.scid  }
0x8: {  	s18 =	simm.s32 $0x2;
	s21 =	simm.s32 $0x800;
	s3 =	smul.u32 $0x1880, s16  }
0x9: {  	[smem:$0x7FF] =	sst s8;
	s11 =	sand.u32 $0x1, s9;
	s9 =	sadd.s32 $0xAA00, s1  }
0xa: {  	s15 =	sshll.u32 s16, $0x1;
	s25 =	sshll.u32 s16, $0x6;
	_ =	strace $0x80000047  }
0xb: {  	s13 =	ssub.s32 $0x2, s11;
	s11 =	sor.u32 s11, s15;
	s10 =	sshrl.u32 s3, $0x3  }
0xc: {  	s14 =	sshrl.u32 s13, $0x1;
	s23 =	sadd.s32 s3, s5;
	s26 =	sadd.s32 s3, s6  }
0xd: {  	s3 =	sadd.s32 s3, s7;
	s22 =	ssub.s32 s13, s14;
	s14 =	sor.u32 $0x1C02, s25  }
0xe: {  	s15 =	smul.u32 $0x30D40, s11;
	s29 =	sshrl.u32 s23, $0x3;
	[dreg:$0x9] =	wrdreg s14  }
0xf: {  	s12 =	sadd.s32 s10, s1;
	s30 =	sshrl.u32 s26, $0x3;
	[dreg:$0xd] =	wrdreg s29  }
0x10: {  	s10 =	sadd.s32 $0xCE000, s1;
	s31 =	sshrl.u32 s3, $0x3;
	[dreg:$0xe] =	wrdreg s30  }
0x11: {  	s23 =	simm.s32 $0x7D0;
	s24 =	sadd.s32 $0x7800, s12;
	[dreg:$0xf] =	wrdreg s31  }
0x12: {  	v0 =	vlaneseq.u32;
	s25 =	simm.s32 $0x5F80;
	s28 =	sadd.s32 $0x4600, s12;
	[dreg:$0x8] =	wrdreg s24  }
0x13: {  	v0 =	vmul.u32 $0x3, v0;
	s26 =	simm.s32 $0x5780;
	s12 =	sadd.s32 $0x1400, s12;
	[dreg:$0xa] =	wrdreg s28  }
0x14: {  	s3 =	simm.s32 $0x0;
	s1 =	smax.u32 s22, $0x1;
	[dreg:$0xb] =	wrdreg s12  }
0x15: {  	v1 =	vadd.s32 $0x1, v0;
	v2 =	vadd.s32 $0x2, v0;
	s22 =	simm.s32 $0x4000;
	[dreg:$0xc] =	wrdreg s1;
	s24 =	simm.s32 $0x1  }
.LBB2_1:
0x16: {  	[dreg:$0x10] =	wrdreg s3  }
0x17: {  	s1 =	rddreg [dreg:$0x8]  }
0x18: {  	s19 =	rddreg [dreg:$0x9]  }
0x19: {  	s11 =	rddreg [dreg:$0xd]  }
0x1a: {  	[spmem:s11], [sflag:s19] =	dma.local [hbm:s1], $0x310  }
0x1b: {  	_ =	swait.ge [sflag:s18], $0x310  }
0x1c: {  	[sflag:s18] =	ssyncset.done $0x0;
	s20 =	rddreg [dreg:$0xa]  }
0x1d: {  	s28 =	rddreg [dreg:$0xe];
	[sflag:s18] =	ssyncadd.s32 $0xFFFFFCF0  }
0x1e: {  	[spmem:s28], [sflag:s19] =	dma.local [hbm:s20], $0x310  }
0x1f: {  	_ =	swait.ge [sflag:s18], $0x310  }
0x20: {  	[sflag:s18] =	ssyncset.done $0x0;
	s30 =	rddreg [dreg:$0xb]  }
0x21: {  	s31 =	rddreg [dreg:$0xf];
	[sflag:s18] =	ssyncadd.s32 $0xFFFFFCF0  }
0x22: {  	[spmem:s31], [sflag:s19] =	dma.local [hbm:s30], $0x310  }
0x23: {  	_ =	swait.ge [sflag:s18], $0x310  }
0x24: {  	[sflag:s18] =	ssyncset.done $0x0  }
0x25: {  	[sflag:s18] =	ssyncadd.s32 $0xFFFFFCF0  }
0x26: {  	s29 =	simm.s32 $0x0;
	[bflag:$0x0] =	sbarrier.arrive $0xFFFF  }
.LBB2_2:
0x27: {  	s1 =	smul.u32 $0x7D0, s29;
	_ =	sdelay $0x1  }
0x28: {  	s1 =	sadd.s32 s15, s1  }
0x29: {  	s30 =	sshrl.u32 s1, $0x3  }
0x2a: {  	s11 =	simm.s32 $0x0;
	s3 =	sadd.s32 s9, s30  }
0x2b: {  	[tilespmem:s11], [sflag:$0x2] =	stream.linear.gather [hbm4b:s3+s11], $0x7D0, $0x38;
	[tilespmem:$0xC080] =	vst v63  }
0x2c: {  	_ =	swait.ge [sflag:s18], $0x7D0  }
0x2d: {  	[sflag:s18] =	ssyncset.done $0x0  }
0x2e: {  	s1 =	smul.u32 $0x3, s1;
	s20 =	sadd.s32 s0, s30;
	[sflag:s18] =	ssyncadd.s32 $0xFFFFF830  }
0x2f: {  	[tilespmem:s21], [sflag:$0x2] =	stream.linear.gather [hbm4b:s20+s11], $0x7D0, $0x38;
	[tilespmem:$0xC080] =	vst v63  }
0x30: {  	_ =	swait.ge [sflag:s18], $0x7D0  }
0x31: {  	s31 =	sshrl.u32 s1, $0x3;
	[sflag:s18] =	ssyncset.done $0x0  }
0x32: {  	s1 =	sadd.s32 s2, s31;
	[sflag:s18] =	ssyncadd.s32 $0xFFFFF830  }
0x33: {  	[tilespmem:s22], [sflag:$0x2] =	stream.linear.gather [hbm4b:s1+s11], $0x1770, $0x38;
	[tilespmem:$0xC080] =	vst v63  }
0x34: {  	_ =	swait.ge [sflag:s18], $0x1770  }
0x35: {  	[sflag:s18] =	ssyncset.done $0x0  }
0x36: {  	s3 =	simm.s32 $0x1000;
	[sflag:s18] =	ssyncadd.s32 $0xFFFFE890  }
0x37: {  	[tilespmem:s3], [sflag:$0x1] =	stream.indirect.gather [spmem:s5], $0x1, s11, s23, $0xb8;
	[tilespmem:$0xC080] =	vst v63  }
0x38: {  	s12 =	simm.s32 $0x1800  }
0x39: {  	[tilespmem:s12], [sflag:$0x1] =	stream.indirect.gather [spmem:s6], $0x1, s11, s23, $0xb8;
	[tilespmem:$0xC080] =	vst v63  }
0x3a: {  	s13 =	simm.s32 $0x2000  }
0x3b: {  	[tilespmem:s13], [sflag:$0x1] =	stream.indirect.gather [spmem:s7], $0x1, s11, s23, $0xb8;
	[tilespmem:$0xC080] =	vst v63  }
0x3c: {  	s1 =	simm.s32 $0x2800  }
0x3d: {  	[tilespmem:s1], [sflag:$0x1] =	stream.indirect.gather [spmem:s5], $0x1, s21, s23, $0xb8;
	[tilespmem:$0xC080] =	vst v63  }
0x3e: {  	s14 =	simm.s32 $0x3000  }
0x3f: {  	[tilespmem:s14], [sflag:$0x1] =	stream.indirect.gather [spmem:s6], $0x1, s21, s23, $0xb8;
	[tilespmem:$0xC080] =	vst v63  }
0x40: {  	s16 =	simm.s32 $0x3800  }
0x41: {  	[tilespmem:s16], [sflag:$0x1] =	stream.indirect.gather [spmem:s7], $0x1, s21, s23, $0xb8;
	[tilespmem:$0xC080] =	vst v63  }
0x42: {  	_ =	swait.ge [sflag:s24], $0x7D0  }
0x43: {  	[sflag:s24] =	ssyncset.done $0x0  }
0x44: {  	[sflag:s24] =	ssyncadd.s32 $0xFFFFF830  }
0x45: {  	_ =	swait.ge [sflag:s24], $0x7D0  }
0x46: {  	[sflag:s24] =	ssyncset.done $0x0  }
0x47: {  	[sflag:s24] =	ssyncadd.s32 $0xFFFFF830  }
0x48: {  	_ =	swait.ge [sflag:s24], $0x7D0  }
0x49: {  	[sflag:s24] =	ssyncset.done $0x0  }
0x4a: {  	[sflag:s24] =	ssyncadd.s32 $0xFFFFF830  }
0x4b: {  	_ =	swait.ge [sflag:s24], $0x7D0  }
0x4c: {  	[sflag:s24] =	ssyncset.done $0x0  }
0x4d: {  	[sflag:s24] =	ssyncadd.s32 $0xFFFFF830  }
0x4e: {  	v3 =	vmov s11;
	_ =	swait.ge [sflag:s24], $0x7D0  }
0x4f: {  	v3 =	vmul.u32 $0x3, v3;
	[sflag:s24] =	ssyncset.done $0x0  }
0x50: {  	[sflag:s24] =	ssyncadd.s32 $0xFFFFF830  }
0x51: {  	v5 =	vbroadcast v3, $0x0;
	_ =	swait.ge [sflag:s24], $0x7D0  }
0x52: {  	[sflag:s24] =	ssyncset.done $0x0  }
0x53: {  	v4 =	vadd.s32 v0, v5;
	[sflag:s24] =	ssyncadd.s32 $0xFFFFF830  }
0x54: {  	v6 =	vld [tilespmem:s1+$0x0]  }
0x55: {  	v7 =	vld [tilespmem:s14+$0x0]  }
0x56: {  	v3 =	vadd.s32 v1, v5;
	v8 =	vld [tilespmem:s12+$0x0]  }
0x57: {  	v9 =	vld [tilespmem:s3+$0x0]  }
0x58: {  	v5 =	vadd.s32 v2, v5;
	v10 =	vld.idx.msk [tilespmem:v4+s22+$0x0], $0xffff  }
0x59: {  	v12 =	vld [tilespmem:s13+$0x0]  }
0x5a: {  	v13 =	vld [tilespmem:s16+$0x0]  }
0x5b: {  	v11 =	vld.idx.msk [tilespmem:v3+s22+$0x0], $0xffff;
	_ =	sdelay $0x1  }
0x5c: {  	v6 =	vsub.f32 v6, v9;
	v9 =	vld.idx.msk [tilespmem:v5+s22+$0x0], $0xffff  }
0x5d: {  	v7 =	vsub.f32 v7, v8  }
0x5e: {  	v8 =	vsub.f32 v13, v12  }
0x5f: {  	v6 =	vadd.f32 v10, v6;
	v7 =	vadd.f32 v11, v7;
	_ =	sdelay $0x1  }
0x60: {  	s28 =	simm.s32 $0x10;
	s19 =	simm.s32 $0x3010;
	v10 =	vmul.f32 v6, v6;
	v11 =	vmul.f32 v7, v7;
	v8 =	vadd.f32 v9, v8  }
0x61: {  	s17 =	simm.s32 $0x1810;
	s20 =	simm.s32 $0x20;
	s11 =	simm.s32 $0x5790;
	v9 =	vmov s28  }
0x62: {  	s16 =	simm.s32 $0x5780;
	s13 =	simm.s32 $0x2010;
	s14 =	simm.s32 $0x3810;
	v9 =	vmul.u32 $0x3, v9;
	v10 =	vadd.f32 v11, v10;
	v11 =	vmul.f32 v8, v8  }
.LBB2_3:
0x63: {  	s1 =	sadd.s32 $0x10, s1  }
0x64: {  	v9 =	vbroadcast v9, $0x0;
	s3 =	sadd.s32 $0x10, s3;
	s12 =	smov.u32 s20;
	s28 =	sadd.s32 $0x10, s20  }
0x65: {  	p0 =	sne.s32 s20, $0x7C0;
	v10 =	vadd.f32 v11, v10  }
0x66: {  	v11 =	vadd.s32 v0, v9;
	v12 =	vadd.s32 v1, v9  }
0x67: {  	v13 =	vshra.s32 v10, $0x1;
	v14 =	vmul.f32 $5.000000000e-01, v10  }
0x68: {  	v9 =	vadd.s32 v2, v9;
	v13 =	vsub.s32 $0x5F3759DF, v13  }
0x69: {  	v15 =	vmul.f32 v13, v14;
	_ =	sdelay $0x1  }
0x6a: {  	v15 =	vmul.f32 v13, v15;
	_ =	sdelay $0x1  }
0x6b: {  	v15 =	vsub.f32 $1.500000000e+00, v15;
	_ =	sdelay $0x1  }
0x6c: {  	v13 =	vmul.f32 v13, v15;
	_ =	sdelay $0x1  }
0x6d: {  	v15 =	vmul.f32 v13, v14;
	_ =	sdelay $0x1  }
0x6e: {  	v15 =	vmul.f32 v15, v13;
	_ =	sdelay $0x1  }
0x6f: {  	v15 =	vsub.f32 $1.500000000e+00, v15;
	_ =	sdelay $0x1  }
0x70: {  	v13 =	vmul.f32 v15, v13;
	_ =	sdelay $0x1  }
0x71: {  	v14 =	vmul.f32 v13, v14;
	_ =	sdelay $0x1  }
0x72: {  	v14 =	vmul.f32 v14, v13;
	_ =	sdelay $0x1  }
0x73: {  	v14 =	vsub.f32 $1.500000000e+00, v14;
	_ =	sdelay $0x1  }
0x74: {  	v13 =	vmul.f32 v14, v13;
	_ =	sdelay $0x1  }
0x75: {  	v10 =	vmul.f32 v13, v10;
	v6 =	vmul.f32 v13, v6  }
0x76: {  	v7 =	vmul.f32 v13, v7  }
0x77: {  	[tilespmem:s16+$0x0] =	vst v10;
	s16 =	smov.u32 s11  }
0x78: {  	[tilespmem:v4+s25+$0x0] =	vst.idx.msk $0xffff, v6;
	v6 =	vmul.f32 v13, v8;
	v4 =	vmov v11  }
0x79: {  	[tilespmem:v3+s25+$0x0] =	vst.idx.msk $0xffff, v7;
	v3 =	vmov v12  }
0x7a: {  	[tilespmem:v5+s25+$0x0] =	vst.idx.msk $0xffff, v6;
	v5 =	vmov v9  }
0x7b: {  	v6 =	vld [tilespmem:s1+$0x0]  }
0x7c: {  	v7 =	vld [tilespmem:s19+$0x0]  }
0x7d: {  	v8 =	vld [tilespmem:s17+$0x0]  }
0x7e: {  	v9 =	vld [tilespmem:s3+$0x0]  }
0x7f: {  	v10 =	vld.idx.msk [tilespmem:v11+s22+$0x0], $0xffff  }
0x80: {  	v11 =	vld.idx.msk [tilespmem:v12+s22+$0x0], $0xffff  }
0x81: {  	v12 =	vld [tilespmem:s13+$0x0]  }
0x82: {  	v7 =	vsub.f32 v7, v8;
	v8 =	vld [tilespmem:s14+$0x0]  }
0x83: {  	v6 =	vsub.f32 v6, v9;
	v9 =	vld.idx.msk [tilespmem:v5+s22+$0x0], $0xffff;
	_ =	sdelay $0x1  }
0x84: {  	v6 =	vadd.f32 v10, v6  }
0x85: {  	v7 =	vadd.f32 v11, v7  }
.Ltmp0:
0x86: {  	v8 =	vsub.f32 v8, v12;
	(pc) =	sbr.rel @p0 .LBB2_3-.Ltmp0, $4  }
0x87: {  	v10 =	vmul.f32 v6, v6;
	v11 =	vmul.f32 v7, v7  }
0x88: {  	v12 =	vmov s12;
	v8 =	vadd.f32 v9, v8  }
0x89: {  	s20 =	smov.u32 s28;
	s11 =	sadd.s32 $0x10, s11;
	s13 =	sadd.s32 $0x10, s13;
	v9 =	vmul.u32 $0x3, v12;
	v10 =	vadd.f32 v11, v10  }
0x8a: {  	s19 =	sadd.s32 $0x10, s19;
	s17 =	sadd.s32 $0x10, s17;
	s14 =	sadd.s32 $0x10, s14;
	v11 =	vmul.f32 v8, v8  }
0x8b: {  	_ = 	snop  }
0x8c: {  	v10 =	vadd.f32 v11, v10;
	_ =	sdelay $0x1  }
0x8d: {  	v11 =	vshra.s32 v10, $0x1;
	v12 =	vmul.f32 $5.000000000e-01, v10  }
0x8e: {  	v11 =	vsub.s32 $0x5F3759DF, v11  }
0x8f: {  	v13 =	vmul.f32 v11, v12;
	_ =	sdelay $0x1  }
0x90: {  	v13 =	vmul.f32 v11, v13;
	_ =	sdelay $0x1  }
0x91: {  	v13 =	vsub.f32 $1.500000000e+00, v13;
	_ =	sdelay $0x1  }
0x92: {  	v11 =	vmul.f32 v11, v13;
	_ =	sdelay $0x1  }
0x93: {  	v13 =	vmul.f32 v11, v12;
	_ =	sdelay $0x1  }
0x94: {  	v13 =	vmul.f32 v13, v11;
	_ =	sdelay $0x1  }
0x95: {  	v13 =	vsub.f32 $1.500000000e+00, v13;
	_ =	sdelay $0x1  }
0x96: {  	v11 =	vmul.f32 v13, v11;
	_ =	sdelay $0x1  }
0x97: {  	v12 =	vmul.f32 v11, v12;
	_ =	sdelay $0x1  }
0x98: {  	v12 =	vmul.f32 v12, v11;
	_ =	sdelay $0x1  }
0x99: {  	v12 =	vsub.f32 $1.500000000e+00, v12;
	_ =	sdelay $0x1  }
0x9a: {  	v11 =	vmul.f32 v12, v11;
	_ =	sdelay $0x1  }
0x9b: {  	v10 =	vmul.f32 v11, v10  }
0x9c: {  	v6 =	vmul.f32 v11, v6  }
0x9d: {  	v7 =	vmul.f32 v11, v7;
	[tilespmem:s16+$0x0] =	vst v10  }
0x9e: {  	v9 =	vbroadcast v9, $0x0;
	v52 =	vmul.f32 v11, v8;
	[tilespmem:v4+s25+$0x0] =	vst.idx.msk $0xffff, v6  }
0x9f: {  	[tilespmem:v3+s25+$0x0] =	vst.idx.msk $0xffff, v7  }
0xa0: {  	s1 =	sadd.s32 $0x10, s1;
	v53 =	vadd.s32 v1, v9;
	[tilespmem:v5+s25+$0x0] =	vst.idx.msk $0xffff, v52  }
0xa1: {  	v5 =	vld [tilespmem:s1+$0x0]  }
0xa2: {  	v6 =	vld [tilespmem:s19+$0x0]  }
0xa3: {  	s28 =	sadd.s32 $0x10, s3;
	v3 =	vadd.s32 v0, v9;
	v7 =	vld [tilespmem:s17+$0x0]  }
0xa4: {  	v54 =	vld [tilespmem:s28+$0x0]  }
0xa5: {  	v9 =	vadd.s32 v2, v9;
	v55 =	vld.idx.msk [tilespmem:v53+s22+$0x0], $0xffff  }
0xa6: {  	v56 =	vld [tilespmem:s13+$0x0]  }
0xa7: {  	v57 =	vld [tilespmem:s14+$0x0]  }
0xa8: {  	v10 =	vld.idx.msk [tilespmem:v3+s22+$0x0], $0xffff;
	_ =	sdelay $0x1  }
0xa9: {  	v58 =	vld.idx.msk [tilespmem:v9+s22+$0x0], $0xffff  }
0xaa: {  	v5 =	vsub.f32 v5, v54;
	v6 =	vsub.f32 v6, v7  }
0xab: {  	v59 =	vsub.f32 v57, v56  }
0xac: {  	v6 =	vadd.f32 v55, v6;
	v5 =	vadd.f32 v10, v5;
	_ =	sdelay $0x1  }
0xad: {  	v7 =	vadd.f32 v58, v59;
	v11 =	vmul.f32 v6, v6;
	v10 =	vmul.f32 v5, v5;
	_ =	sdelay $0x1  }
0xae: {  	v61 =	vmul.f32 v7, v7;
	v60 =	vadd.f32 v11, v10;
	_ =	sdelay $0x1  }
0xaf: {  	v8 =	vadd.f32 v61, v60;
	_ =	sdelay $0x1  }
0xb0: {  	v10 =	vshra.s32 v8, $0x1;
	v62 =	vmul.f32 $5.000000000e-01, v8  }
0xb1: {  	v10 =	vsub.s32 $0x5F3759DF, v10  }
0xb2: {  	v63 =	vmul.f32 v10, v62;
	_ =	sdelay $0x1  }
0xb3: {  	v12 =	vmul.f32 v10, v63;
	_ =	sdelay $0x1  }
0xb4: {  	v12 =	vsub.f32 $1.500000000e+00, v12;
	_ =	sdelay $0x1  }
0xb5: {  	v10 =	vmul.f32 v10, v12;
	_ =	sdelay $0x1  }
0xb6: {  	v12 =	vmul.f32 v10, v62;
	_ =	sdelay $0x1  }
0xb7: {  	v12 =	vmul.f32 v12, v10;
	_ =	sdelay $0x1  }
0xb8: {  	v12 =	vsub.f32 $1.500000000e+00, v12;
	_ =	sdelay $0x1  }
0xb9: {  	v10 =	vmul.f32 v12, v10;
	_ =	sdelay $0x1  }
0xba: {  	v11 =	vmul.f32 v10, v62;
	_ =	sdelay $0x1  }
0xbb: {  	v11 =	vmul.f32 v11, v10;
	_ =	sdelay $0x1  }
0xbc: {  	v11 =	vsub.f32 $1.500000000e+00, v11;
	_ =	sdelay $0x1  }
0xbd: {  	v10 =	vmul.f32 v11, v10;
	_ =	sdelay $0x1  }
0xbe: {  	v8 =	vmul.f32 v10, v8  }
0xbf: {  	v5 =	vmul.f32 v10, v5  }
0xc0: {  	v6 =	vmul.f32 v10, v6;
	[tilespmem:s11+$0x0] =	vst v8  }
0xc1: {  	[tilespmem:v3+s25+$0x0] =	vst.idx.msk $0xffff, v5;
	v3 =	vmul.f32 v10, v7  }
0xc2: {  	[tilespmem:v53+s25+$0x0] =	vst.idx.msk $0xffff, v6  }
0xc3: {  	s30 =	sadd.s32 s4, s30;
	[tilespmem:v9+s25+$0x0] =	vst.idx.msk $0xffff, v3  }
0xc4: {  	[hbm4b:s30+s8] =	stream.linear.scatter [tilespmem:s26], [sflag:$0x2], $0x7D0, $0x38;
	[tilespmem:$0xC080] =	vst v63  }
0xc5: {  	s29 =	sadd.s32 $0x1, s29;
	_ =	swait.ge [sflag:s18], $0x7D0  }
0xc6: {  	p0 =	sne.s32 s29, $0x64;
	[sflag:s18] =	ssyncset.done $0x0  }
.Ltmp1:
0xc7: {  	s31 =	sadd.s32 s10, s31;
	[sflag:s18] =	ssyncadd.s32 $0xFFFFF830;
	(pc) =	sbr.rel @p0 .LBB2_2-.Ltmp1, $4  }
0xc8: {  	[hbm4b:s31+s8] =	stream.linear.scatter [tilespmem:s25], [sflag:$0x2], $0x1770, $0x38;
	[tilespmem:$0xC080] =	vst v63  }
0xc9: {  	_ =	swait.ge [sflag:s18], $0x1770  }
0xca: {  	[sflag:s18] =	ssyncset.done $0x0  }
0xcb: {  	[sflag:s18] =	ssyncadd.s32 $0xFFFFE890  }
0xcc: {  	s3 =	rddreg [dreg:$0x10]  }
0xcd: {  	s1 =	rddreg [dreg:$0xc];
	s3 =	sadd.s32 $0x1, s3  }
0xce: {  	p0 =	sne.s32 s3, s1  }
.Ltmp2:
0xcf: {  	_ = 	snop;
	(pc) =	sbr.rel @p0 .LBB2_1-.Ltmp2, $1  }
0xd0: {  	_ =	sdelay $0x3  }
0xd1: {  	_ =	sfence.sel $0x180000  }
0xd2: {  	[bflag:$0x0] =	sbarrier.arrive $0xFFFF  }
0xd3: {  	_ =	strace $0x90000047  }
0xd4: {  	s0 =	stileid.u32;
	[bflag:$0x2] =	sbarrier.arrive $0xFFFF  }
0xd5: {  	p0 =	sne.s32 s0, $0x0;
	s0 =	rddreg [dreg:$0x7]  }
0xd6: {  	s0 =	sadd.s32 @!p0 $0x100000, s0  }
0xd7: {  	[sflag:s0] =	ssyncadd.tile.s32 @!p0 $0x1;
	_ =	shalt  }
.Lfunc_end2:
_tile_overlayer_lowered:
.L_overlay_start_2:
0xd8: {  	(tag) =	ssettag $0x2  }
0xd9: {  	s0 =	rddreg [dreg:$0x0];
	s2 =	stileid.u32  }
0xda: {  	s1 =	rddreg [dreg:$0x1];
	p0 =	sne.s32 s2, $0x0  }
0xdb: {  	s3 =	rddreg [dreg:$0x2];
	[bflag:$0x3] =	sbarrier.arrive $0xFFFF;
	s2 =	simm.s32 @!p0 $0x1C02  }
0xdc: {  	[timem:s3], [sflag:s2] =	dma.local @!p0 [hbm:s0], s1  }
0xdd: {  	s0 =	simm.s32 @!p0 $0x2  }
0xde: {  	_ =	swait.ge @!p0 [sflag:s0], s1  }
0xdf: {  	s1 =	ssub.s32 @!p0 $0x0, s1;
	[sflag:s0] =	ssyncset.done @!p0 $0x0  }
0xe0: {  	[sflag:s0] =	ssyncadd.s32 @!p0 s1  }
0xe1: {  	[bflag:$0x3] =	sbarrier.arrive $0xFFFF  }
0xe2: {  	_ =	shalt  }

// kernel: sparse-core-data-format-call.1.cloned.1.call-start
scs
called_computation.1_lowered:
.L_overlay_start_0:
0x0: {  	s2 =	sld [smem:$0x3FD9]  }
0x1: {  	s3 =	sld [smem:$0x3FFE];
	_ =	sdelay $0x1  }
0x2: {  	s1 =	srdreg.scid  }
0x3: {  	s0 =	sand.u32 $0x1, s1  }
0x4: {  	s16 =	sshll.u32 s0, $0xA;
	s2 =	sadd.s32 s3, s2  }
0x5: {  	s2 =	sadd.s32 s2, s16  }
0x6: {  	[smem:$0x3FC5] =	sst s2  }
0x7: {  	_ = 	snop  }
0x8: {  	s2 =	sld [smem:$0x3FD0];
	_ =	sdelay $0x2  }
0x9: {  	s17 =	simm.s32 $0xB;
	s4 =	simm.s32 $0x10  }
0xa: {  	[smem:s4], [sflag:s17] =	dma.local [hbm:s2], $0x1  }
0xb: {  	_ =	swait.eq [sflag:s17], $0x1  }
0xc: {  	[sflag:s17] =	ssyncset.done $0x0  }
0xd: {  	[sflag:s17] =	ssyncadd.s32 $0xFFFFFFFF  }
0xe: {  	s18 =	sld [smem:$0x11];
	(tm) =	ssettm $0x1  }
0xf: {  	s19 =	sld [smem:$0x3FFB];
	_ =	sdelay $0x3  }
0x10: {  	_ =	strace s19  }
0x11: {  	s2 =	sld [smem:$0x3FFC];
	_ =	sdelay $0x3  }
0x12: {  	_ =	strace s2  }
0x13: {  	s2 =	sld [smem:$0x3FFD];
	_ =	sdelay $0x3  }
0x14: {  	_ =	strace s2  }
0x15: {  	_ =	strace $0x8FFFFFFF  }
0x16: {  	s20 =	sld [smem:$0x3FDB];
	_ =	sdelay $0x1  }
0x17: {  	s21 =	simm.s32 $_scs_section_size  }
0x18: {  	s5 =	simm.s32 $_size__tile_overlayer_lowered;
	s6 =	simm.s32 $_tile_overlayer_lowered  }
0x19: {  	s7 =	simm.s32 $0x1BFF;
	s22 =	sshll.u32 s6, $0x1;
	s4 =	sadd.s32 s21, s20  }
0x1a: {  	s23 =	simm.s32 $0x0;
	s5 =	sshll.u32 s5, $0x1;
	s6 =	sadd.s32 s22, s4  }
0x1b: {  	[timem:s23], [sflag:s7] =	dma.local [hbm:s6], s5  }
0x1c: {  	_ =	swait.ge [sflag:s7], s5  }
0x1d: {  	s5 =	ssub.s32 $0x0, s5;
	[sflag:s7] =	ssyncset.done $0x0  }
0x1e: {  	[sflag:s7] =	ssyncadd.s32 s5;
	_ =	sdelay $0x1  }
0x1f: {  	s24 =	simm.s32 $0x1B8B  }
0x20: {  	_ =	swait.ge [sflag:s24], $0x1  }
0x21: {  	[sflag:s24] =	ssyncset.done $0x0  }
0x22: {  	[sflag:s24] =	ssyncadd.s32 $0xFFFFFFFF  }
0x23: {  	s5 =	sld [smem:$0x0]  }
0x24: {  	s6 =	sand.u32 $0xFFFFFFFE, s1  }
0x25: {  	p0 =	sne.s32 s1, s6  }
0x26: {  	s6 =	sshll.u32 @p0 s6, $0xE  }
0x27: {  	s6 =	sadd.s32 @p0 $0x11B8D, s6;
	s7 =	sshll.u32 @p0 s5, $0x11  }
0x28: {  	s6 =	sor.u32 @p0 s7, s6  }
0x29: {  	[sflag:s6] =	ssyncadd.remote.s32 @p0 $0x1;
	_ =	sdelay $0x1  }
0x2a: {  	s6 =	simm.s32 @p0 $0x1B8D  }
0x2b: {  	_ =	swait.eq @p0 [sflag:s6], $0x1  }
0x2c: {  	[sflag:s6] =	ssyncadd.s32 @p0 $0xFFFFFFFF  }
0x2d: {  	s7 =	sshll.u32 @!p0 s1, $0xE  }
0x2e: {  	s7 =	sor.u32 @!p0 $0x4000, s7;
	s6 =	simm.s32 @!p0 $0x1B8D  }
0x2f: {  	s5 =	sshll.u32 @!p0 s5, $0x11;
	s7 =	sadd.s32 @!p0 $0x11B8D, s7;
	_ =	swait.eq @!p0 [sflag:s6], $0x1  }
0x30: {  	s5 =	sor.u32 @!p0 s5, s7;
	[sflag:s6] =	ssyncadd.s32 @!p0 $0xFFFFFFFF  }
0x31: {  	s26 =	simm.s32 $0x1B8E;
	s25 =	sld [smem:$0x3FFE];
	[sflag:s5] =	ssyncadd.remote.s32 @!p0 $0x1  }
0x32: {  	s27 =	simm.s32 $execute0_lowered;
	[smem:$0x3FD2] =	sst s26  }
0x33: {  	s6 =	sshll.u32 s27, $0x1;
	_ =	strace $0x8000004C;
	[dreg:$0x1] =	wrdreg $0xFFFFFFFF  }
0x34: {  	s28 =	simm.s32 $_size_execute0_lowered;
	s4 =	sadd.s32 s4, s6;
	[dreg:$0x0] =	wrdreg $0x0  }
0x35: {  	s6 =	sshll.u32 s28, $0x1;
	[dreg:$0x2] =	wrdreg s4  }
0x36: {  	[dreg:$0x3] =	wrdreg s6  }
0x37: {  	[dreg:$0x4] =	wrdreg $0xC0  }
0x38: {  	_ =	task [dreg:s23], $0x5FFFF  }
0x39: {  	[dreg:$0x1] =	wrdreg $0xFFFFFFFF  }
0x3a: {  	[dreg:$0x0] =	wrdreg $0x60  }
0x3b: {  	[dreg:$0x2] =	wrdreg s25  }
0x3c: {  	[dreg:$0x3] =	wrdreg s18  }
0x3d: {  	[dreg:$0x4] =	wrdreg $0xA  }
0x3e: {  	_ =	task.clear_ibuf [dreg:s23], $0x5FFFF;
	_ =	strace $0x9000004C  }
0x3f: {  	s29 =	simm.s32 $0xA;
	_ =	strace $0x8000004E  }
0x40: {  	_ =	swait.ge [sflag:s29], $0x1  }
0x41: {  	[sflag:s29] =	ssyncadd.s32 $0xFFFFFFFF  }
0x42: {  	_ =	strace $0x9000004E  }
0x43: {  	_ =	sfence  }
0x44: {  	s30 =	sld [smem:$0x0];
	_ =	sdelay $0x2  }
0x45: {  	s31 =	sshll.u32 s1, $0xD;
	s1 =	sshrl.u32 s1, $0x2  }
0x46: {  	s4 =	sand.u32 $0x4000, s31;
	s1 =	sadd.s32 s1, s30  }
0x47: {  	s0 =	sor.u32 s4, s0;
	s1 =	sshll.u32 s1, $0x11  }
0x48: {  	s0 =	sor.u32 s1, s0  }
0x49: {  	s0 =	sadd.s32 $0x8F2B, s0  }
0x4a: {  	[sflag:s0] =	ssyncadd.remote.s32 $0x1  }
0x4b: {  	_ =	sfence.sel $0xFFFF  }
0x4c: {  	[dreg:$0x0] =	wrdreg $0xFFFFFFFF;
	(pc) =	sbr.abs _section_cstart, $3  }
0x4d: {  	[dreg:$0x1] =	wrdreg $0xFFFFFFFF  }
0x4e: {  	_ =	task.clear_ibuf [dreg:s23], $0x2FFFF;
	_ =	strace $0x9FFFFFFF  }
0x4f: {  	(tm) =	ssettm $0x7FFFFFFF  }
tec
execute0_lowered:
.L_overlay_start_1:
0x0: {  	(tag) =	ssettag $0x1  }
0x1: {  	s0 =	srdreg.scid  }
0x2: {  	s1 =	sshll.u32 s0, $0x4  }
0x3: {  	s4 =	rddreg [dreg:$0x0];
	s0 =	stileid.u32;
	s1 =	sand.u32 $0x10, s1  }
0x4: {  	s2 =	rddreg [dreg:$0x1];
	s7 =	simm.s32 $0x1;
	s1 =	sor.u32 s0, s1  }
0x5: {  	s8 =	simm.s32 $0x2;
	s9 =	simm.s32 $0x0;
	s3 =	sshll.u32 s1, $0x1  }
0x6: {  	s12 =	simm.s32 $0x0;
	s11 =	simm.s32 $0x0;
	s6 =	ssub.s32 $0x186A, s3  }
.Ltmp0:
0x7: {  	s4 =	sadd.s32 $0x64C0200, s4;
	s5 =	sand.u32 $0x3E, s6;
	(pc) =	sbr.rel .LBB1_1-.Ltmp0, $4  }
0x8: {  	s1 =	rddreg [dreg:$0x2];
	_ =	strace $0x8000004D;
	p0 =	sne.s32 s5, $0x0  }
0x9: {  	s6 =	sshrl.u32 s6, $0x6;
	s5 =	simm.s32 $0x1;
	s7 =	simm.s32 @!p0 $0x0  }
0xa: {  	s10 =	smov.u32 s3;
	[sflag:s5] =	ssyncpa.u1 $0x0;
	s6 =	sadd.s32 s7, s6  }
0xb: {  	[sflag:s8] =	ssyncpa.u1 $0x0;
	s8 =	simm.s32 $0x0;
	s7 =	sadd.s32 $0x1, s6  }
.LBB1_9:
0xc: {  	s14 =	sadd.s32 $0x40, s10  }
0xd: {  	p1 =	sgt.s32 s14, $0x1869  }
0xe: {  	s14 =	smov.u32 @p1 s3;
	p1 =	sne.s32 s11, s7  }
.Ltmp1:
0xf: {  	p0 =	slt.u32 s11, $0x2;
	(pc) =	sbr.rel @!p1 .LBB1_10-.Ltmp1, $4  }
0x10: {  	s13 =	simm.s32 @!p0 $0x2  }
0x11: {  	s15 =	sadd.s32 $0x1, s11;
	_ =	swait.ge @!p0 [sflag:s13], $0x4000  }
0x12: {  	s12 =	smov.u32 s10;
	s9 =	sadd.s32 $0x4000, s9;
	[sflag:s13] =	ssyncset.done @!p0 $0x0  }
0x13: {  	s11 =	smov.u32 s15;
	s10 =	smov.u32 s14;
	[sflag:s13] =	ssyncadd.s32 @!p0 $0xFFFFC000  }
.LBB1_1:
0x14: {  	p0 =	sge.u32 s11, s6  }
0x15: {  	s13 =	sxor.u32 @!p0 $0xFFFFFFFF, s11  }
0x16: {  	s31 =	sadd.s32 $0xFFFFFFFF, s11;
	s14 =	sshll.u32 @!p0 s10, $0xA;
	s13 =	sshll.u32 @!p0 s13, $0xE  }
0x17: {  	s15 =	simm.s32 @!p0 $0x0;
	s14 =	sadd.s32 @!p0 s4, s14;
	s13 =	sand.u32 @!p0 $0x4000, s13  }
0x18: {  	[tilespmem:s13], [sflag:$0x1] =	stream.linear.gather @!p0 [hbm4b:s14+s15], $0x4000, $0x38;
	[tilespmem:$0x10000] =	vst v63  }
0x19: {  	p0 =	sge.u32 s31, s6  }
.Ltmp2:
0x1a: {  	_ = 	snop;
	(pc) =	sbr.rel @p0 .LBB1_9-.Ltmp2, $1  }
0x1b: {  	_ =	sdelay $0x3  }
0x1c: {  	s13 =	sshll.u32 s9, $0x2  }
0x1d: {  	_ =	swait.ge [sflag:s5], $0x4000;
	s14 =	sshll.u32 s11, $0xE;
	s16 =	simm.s32 $0x0  }
0x1e: {  	p1 =	por $0x1, $0x1;
	s13 =	sand.u32 $0x10000, s13;
	[sflag:s5] =	ssyncset.done $0x0  }
0x1f: {  	s14 =	sand.u32 $0x4000, s14;
	s15 =	sshrl.u32 s13, $0x2;
	[sflag:s5] =	ssyncadd.s32 $0xFFFFC000  }
0x20: {  	s13 =	sor.u32 $0x8000, s14;
	s14 =	sadd.s32 $0x8040, s15;
	s15 =	sadd.s32 $0x40, s15  }
.LBB1_3:
0x21: {  	s16 =	sshll.u32 s16, $0x2  }
0x22: {  	p0 =	por p1, p1;
	s17 =	sshra.s32 s16, $0x2  }
0x23: {  	s18 =	simm.s32 $0x0;
	s16 =	sadd.s32 s17, s14;
	s17 =	sadd.s32 s17, s15  }
.LBB1_4:
0x24: {  	v0 =	vmov s17;
	_ =	sdelay $0x3  }
0x25: {  	s20 =	simm.s32 $0x0  }
0x26: {  	v6 =	vld.idx.msk [tilespmem:v0+s20+$0x30 ss:$0x1], $0xffff  }
0x27: {  	v7 =	vld.idx.msk [tilespmem:v0+s20+$0xFFFFFFC0 ss:$0x1], $0xffff  }
0x28: {  	v5 =	vld.idx.msk [tilespmem:v0+s20+$0xFFFFFFD0 ss:$0x1], $0xffff  }
0x29: {  	v4 =	vld.idx.msk [tilespmem:v0+s20+$0xFFFFFFE0 ss:$0x1], $0xffff  }
0x2a: {  	v3 =	vld.idx.msk [tilespmem:v0+s20+$0xFFFFFFF0 ss:$0x1], $0xffff  }
0x2b: {  	v1 =	vld.idx.msk [tilespmem:v0+s20+$0x0 ss:$0x1], $0xffff  }
0x2c: {  	v2 =	vld.idx.msk [tilespmem:v0+s20+$0x10 ss:$0x1], $0xffff;
	[tilespmem:s16+$0x30] =	vst v6  }
0x2d: {  	s19 =	simm.s32 $0x80;
	s21 =	simm.s32 $0x400;
	[tilespmem:s16+$0xFFFFFFC0] =	vst v7;
	v6 =	vld.idx.msk [tilespmem:v0+s20+$0x20 ss:$0x1], $0xffff;
	s20 =	smov.u32 s16  }
.LBB1_5:
0x2e: {  	p1 =	sne.s32 s21, $0xE00;
	v7 =	vld.idx.msk [tilespmem:v0+s19+$0x30 ss:$0x1], $0xffff;
	[tilespmem:s20+$0xFFFFFFD0] =	vst v5  }
0x2f: {  	v8 =	vld.idx.msk [tilespmem:v0+s19+$0xFFFFFFC0 ss:$0x1], $0xffff;
	[tilespmem:s20+$0xFFFFFFE0] =	vst v4  }
0x30: {  	v5 =	vld.idx.msk [tilespmem:v0+s19+$0xFFFFFFD0 ss:$0x1], $0xffff;
	[tilespmem:s20+$0xFFFFFFF0] =	vst v3  }
.Ltmp3:
0x31: {  	v4 =	vld.idx.msk [tilespmem:v0+s19+$0xFFFFFFE0 ss:$0x1], $0xffff;
	[tilespmem:s20+$0x0] =	vst v1;
	(pc) =	sbr.rel @p1 .LBB1_5-.Ltmp3, $4  }
0x32: {  	v3 =	vld.idx.msk [tilespmem:v0+s19+$0xFFFFFFF0 ss:$0x1], $0xffff;
	[tilespmem:s20+$0x10] =	vst v2  }
0x33: {  	v1 =	vld.idx.msk [tilespmem:v0+s19+$0x0 ss:$0x1], $0xffff;
	[tilespmem:s20+$0x20] =	vst v6;
	s20 =	sadd.s32 $0x400, s20  }
0x34: {  	v2 =	vld.idx.msk [tilespmem:v0+s19+$0x10 ss:$0x1], $0xffff;
	[tilespmem:s20+$0x30] =	vst v7  }
0x35: {  	[tilespmem:s20+$0xFFFFFFC0] =	vst v8;
	v6 =	vld.idx.msk [tilespmem:v0+s19+$0x20 ss:$0x1], $0xffff;
	s19 =	sshra.s32 s21, $0x2;
	s21 =	sadd.s32 $0x200, s21  }
0x36: {  	_ =	sdelay $0x2  }
0x37: {  	[tilespmem:s20+$0xFFFFFFD0] =	vst v5  }
0x38: {  	v56 =	vld.idx.msk [tilespmem:v0+s19+$0x30 ss:$0x1], $0xffff;
	[tilespmem:s20+$0xFFFFFFE0] =	vst v4  }
0x39: {  	v57 =	vld.idx.msk [tilespmem:v0+s19+$0xFFFFFFC0 ss:$0x1], $0xffff;
	[tilespmem:s20+$0xFFFFFFF0] =	vst v3  }
0x3a: {  	v58 =	vld.idx.msk [tilespmem:v0+s19+$0xFFFFFFD0 ss:$0x1], $0xffff;
	[tilespmem:s20+$0x0] =	vst v1  }
0x3b: {  	v59 =	vld.idx.msk [tilespmem:v0+s19+$0xFFFFFFE0 ss:$0x1], $0xffff;
	[tilespmem:s20+$0x10] =	vst v2  }
0x3c: {  	v60 =	vld.idx.msk [tilespmem:v0+s19+$0xFFFFFFF0 ss:$0x1], $0xffff;
	s31 =	sadd.s32 $0x400, s20;
	[tilespmem:s20+$0x20] =	vst v6  }
0x3d: {  	v61 =	vld.idx.msk [tilespmem:v0+s19+$0x0 ss:$0x1], $0xffff;
	[tilespmem:s31+$0x30] =	vst v56  }
0x3e: {  	v62 =	vld.idx.msk [tilespmem:v0+s19+$0x10 ss:$0x1], $0xffff;
	s18 =	sadd.s32 $0x1, s18;
	[tilespmem:s31+$0xFFFFFFC0] =	vst v57  }
0x3f: {  	v63 =	vld.idx.msk [tilespmem:v0+s19+$0x20 ss:$0x1], $0xffff;
	p1 =	sne.s32 s18, $0x8;
	[tilespmem:s31+$0xFFFFFFD0] =	vst v58  }
.Ltmp4:
0x40: {  	[tilespmem:s31+$0xFFFFFFE0] =	vst v59;
	(pc) =	sbr.rel @p1 .LBB1_4-.Ltmp4, $4  }
0x41: {  	[tilespmem:s31+$0xFFFFFFF0] =	vst v60  }
0x42: {  	[tilespmem:s31+$0x0] =	vst v61  }
0x43: {  	[tilespmem:s31+$0x10] =	vst v62  }
0x44: {  	s16 =	sadd.s32 $0x80, s16;
	s17 =	sadd.s32 $0x400, s17;
	[tilespmem:s31+$0x20] =	vst v63  }
.Ltmp5:
0x45: {  	(pc) =	sbr.rel @p0 .LBB1_3-.Ltmp5, $2  }
0x46: {  	_ =	sdelay $0x2  }
0x47: {  	s16 =	simm.s32 $0x2000;
	p1 =	por $0x0, $0x0  }
.Ltmp6:
0x48: {  	(pc) =	sbr.rel .LBB1_9-.Ltmp6, $4  }
0x49: {  	_ = 	snop  }
0x4a: {  	s12 =	sshll.u32 s12, $0xA  }
0x4b: {  	s12 =	sadd.s32 s2, s12  }
0x4c: {  	[hbm4b:s12+s8] =	stream.linear.scatter [tilespmem:s13], [sflag:$0x2], $0x4000, $0x38;
	[tilespmem:$0x10000] =	vst v63  }
.LBB1_10:
0x4d: {  	_ =	sfence.sel $0x180000  }
0x4e: {  	s2 =	simm.s32 $0x1;
	[bflag:$0x0] =	sbarrier.arrive $0xFFFF  }
0x4f: {  	s31 =	simm.s32 $0x2;
	[sflag:s2] =	ssyncpa.u1 $0x1  }
0x50: {  	[sflag:s31] =	ssyncpa.u1 $0x1  }
0x51: {  	p0 =	sne.s32 s0, $0x0;
	_ =	strace $0x9000004D  }
0x52: {  	s0 =	sadd.s32 @!p0 $0x100000, s1;
	[bflag:$0x2] =	sbarrier.arrive $0xFFFF  }
0x53: {  	[sflag:s0] =	ssyncadd.tile.s32 @!p0 $0x1;
	_ =	shalt  }
.Lfunc_end1:
_tile_overlayer_lowered:
.L_overlay_start_2:
0x54: {  	(tag) =	ssettag $0x2  }
0x55: {  	s0 =	rddreg [dreg:$0x0];
	s2 =	stileid.u32  }
0x56: {  	s1 =	rddreg [dreg:$0x1];
	p0 =	sne.s32 s2, $0x0  }
0x57: {  	s3 =	rddreg [dreg:$0x2];
	[bflag:$0x3] =	sbarrier.arrive $0xFFFF;
	s2 =	simm.s32 @!p0 $0x1C01  }
0x58: {  	[timem:s3], [sflag:s2] =	dma.local @!p0 [hbm:s0], s1  }
0x59: {  	s0 =	simm.s32 @!p0 $0x1  }
0x5a: {  	_ =	swait.ge @!p0 [sflag:s0], s1  }
0x5b: {  	s1 =	ssub.s32 @!p0 $0x0, s1;
	[sflag:s0] =	ssyncset.done @!p0 $0x0  }
0x5c: {  	[sflag:s0] =	ssyncadd.s32 @!p0 s1  }
0x5d: {  	[bflag:$0x3] =	sbarrier.arrive $0xFFFF  }
0x5e: {  	_ =	shalt  }

// kernel: sparse-core-data-format-call.cloned.1.call-start
scs
called_computation_lowered:
.L_overlay_start_0:
0x0: {  	s2 =	sld [smem:$0x3FD9]  }
0x1: {  	s3 =	sld [smem:$0x3FFE];
	_ =	sdelay $0x1  }
0x2: {  	s1 =	srdreg.scid  }
0x3: {  	s0 =	sand.u32 $0x1, s1  }
0x4: {  	s15 =	sshll.u32 s0, $0xA;
	s2 =	sadd.s32 s3, s2  }
0x5: {  	s2 =	sadd.s32 s2, s15  }
0x6: {  	[smem:$0x3FC5] =	sst s2  }
0x7: {  	_ = 	snop  }
0x8: {  	s2 =	sld [smem:$0x3FD0];
	_ =	sdelay $0x2  }
0x9: {  	s16 =	simm.s32 $0xB;
	s4 =	simm.s32 $0x10  }
0xa: {  	[smem:s4], [sflag:s16] =	dma.local [hbm:s2], $0x1  }
0xb: {  	_ =	swait.eq [sflag:s16], $0x1  }
0xc: {  	[sflag:s16] =	ssyncset.done $0x0  }
0xd: {  	[sflag:s16] =	ssyncadd.s32 $0xFFFFFFFF  }
0xe: {  	s17 =	sld [smem:$0x12];
	(tm) =	ssettm $0x1  }
0xf: {  	s18 =	sld [smem:$0x3FFB];
	_ =	sdelay $0x3  }
0x10: {  	_ =	strace s18  }
0x11: {  	s3 =	sld [smem:$0x3FFC];
	_ =	sdelay $0x3  }
0x12: {  	_ =	strace s3  }
0x13: {  	s3 =	sld [smem:$0x3FFD];
	_ =	sdelay $0x3  }
0x14: {  	_ =	strace s3  }
0x15: {  	_ =	strace $0x8FFFFFFF  }
0x16: {  	s19 =	sld [smem:$0x3FDB];
	_ =	sdelay $0x1  }
0x17: {  	s20 =	simm.s32 $_scs_section_size  }
0x18: {  	s5 =	simm.s32 $_size__tile_overlayer_lowered;
	s6 =	simm.s32 $_tile_overlayer_lowered  }
0x19: {  	s23 =	simm.s32 $0x1BFF;
	s22 =	sshll.u32 s6, $0x1;
	s3 =	sadd.s32 s20, s19  }
0x1a: {  	s7 =	simm.s32 $0x0;
	s21 =	sshll.u32 s5, $0x1;
	s5 =	sadd.s32 s22, s3  }
0x1b: {  	[timem:s7], [sflag:s23] =	dma.local [hbm:s5], s21  }
0x1c: {  	_ =	swait.ge [sflag:s23], s21  }
0x1d: {  	s4 =	ssub.s32 $0x0, s21;
	[sflag:s23] =	ssyncset.done $0x0  }
0x1e: {  	[sflag:s23] =	ssyncadd.s32 s4;
	_ =	sdelay $0x1  }
0x1f: {  	s24 =	simm.s32 $0x1B8B  }
0x20: {  	_ =	swait.ge [sflag:s24], $0x1  }
0x21: {  	[sflag:s24] =	ssyncset.done $0x0  }
0x22: {  	s26 =	simm.s32 $0x1B8E;
	s25 =	sld [smem:$0x3FFE];
	[sflag:s24] =	ssyncadd.s32 $0xFFFFFFFF  }
0x23: {  	s27 =	simm.s32 $execute0_lowered;
	[smem:$0x3FD2] =	sst s26  }
0x24: {  	s5 =	sshll.u32 s27, $0x1;
	_ =	strace $0x80000049;
	[dreg:$0x1] =	wrdreg $0xFFFFFFFF  }
0x25: {  	s28 =	simm.s32 $_size_execute0_lowered;
	s3 =	sadd.s32 s3, s5;
	[dreg:$0x0] =	wrdreg $0x0  }
0x26: {  	s5 =	sshll.u32 s28, $0x1;
	[dreg:$0x2] =	wrdreg s3  }
0x27: {  	[dreg:$0x3] =	wrdreg s5  }
0x28: {  	[dreg:$0x4] =	wrdreg $0xC0  }
0x29: {  	_ =	task [dreg:s7], $0x5FFFF  }
0x2a: {  	[dreg:$0x1] =	wrdreg $0xFFFFFFFF  }
0x2b: {  	[dreg:$0x0] =	wrdreg $0x60  }
0x2c: {  	[dreg:$0x2] =	wrdreg s25  }
0x2d: {  	[dreg:$0x3] =	wrdreg s17  }
0x2e: {  	[dreg:$0x4] =	wrdreg $0x9  }
0x2f: {  	_ =	task.clear_ibuf [dreg:s7], $0x5FFFF;
	_ =	strace $0x90000049  }
0x30: {  	s29 =	simm.s32 $0x9;
	_ =	strace $0x8000004B  }
0x31: {  	_ =	swait.ge [sflag:s29], $0x1  }
0x32: {  	[sflag:s29] =	ssyncadd.s32 $0xFFFFFFFF  }
0x33: {  	_ =	strace $0x9000004B  }
0x34: {  	_ =	sfence  }
0x35: {  	s30 =	sld [smem:$0x0];
	_ =	sdelay $0x2  }
0x36: {  	s31 =	sshll.u32 s1, $0xD;
	s1 =	sshrl.u32 s1, $0x2  }
0x37: {  	s3 =	sand.u32 $0x4000, s31;
	s1 =	sadd.s32 s1, s30  }
0x38: {  	s0 =	sor.u32 s3, s0;
	s1 =	sshll.u32 s1, $0x11  }
0x39: {  	s0 =	sor.u32 s1, s0  }
0x3a: {  	s0 =	sadd.s32 $0x8F2B, s0  }
0x3b: {  	[sflag:s0] =	ssyncadd.remote.s32 $0x1  }
0x3c: {  	_ =	sfence.sel $0xFFFF  }
0x3d: {  	[dreg:$0x0] =	wrdreg $0xFFFFFFFF;
	(pc) =	sbr.abs _section_cstart, $3  }
0x3e: {  	[dreg:$0x1] =	wrdreg $0xFFFFFFFF  }
0x3f: {  	_ =	task.clear_ibuf [dreg:s7], $0x2FFFF;
	_ =	strace $0x9FFFFFFF  }
0x40: {  	(tm) =	ssettm $0x7FFFFFFF  }
0x41: {  	_ =	shalt  }
tec
execute0_lowered:
.L_overlay_start_1:
0x0: {  	(tag) =	ssettag $0x1  }
0x1: {  	s0 =	srdreg.scid  }
0x2: {  	s5 =	rddreg [dreg:$0x0];
	s1 =	sshll.u32 s0, $0x4  }
0x3: {  	s2 =	rddreg [dreg:$0x1];
	s0 =	stileid.u32;
	s1 =	sand.u32 $0x10, s1  }
0x4: {  	s4 =	simm.s32 $0x1;
	s8 =	simm.s32 $0x2;
	s1 =	sor.u32 s0, s1  }
0x5: {  	s12 =	simm.s32 $0x0;
	s9 =	simm.s32 $0x0;
	s3 =	sshll.u32 s1, $0x7  }
0x6: {  	s11 =	simm.s32 $0x0;
	s5 =	sadd.s32 $0x318200, s5;
	s6 =	ssub.s32 $0x61A800, s3  }
.Ltmp0:
0x7: {  	s1 =	rddreg [dreg:$0x2];
	s7 =	sand.u32 $0xF80, s6;
	(pc) =	sbr.rel .LBB1_1-.Ltmp0, $4  }
0x8: {  	_ =	strace $0x8000004A;
	p0 =	sne.s32 s7, $0x0;
	s7 =	simm.s32 $0x1  }
0x9: {  	[sflag:s4] =	ssyncpa.u1 $0x0;
	s6 =	sshrl.u32 s6, $0xC;
	s7 =	simm.s32 @!p0 $0x0  }
0xa: {  	s10 =	smov.u32 s3;
	[sflag:s8] =	ssyncpa.u1 $0x0;
	s6 =	sadd.s32 s7, s6  }
0xb: {  	s8 =	simm.s32 $0x186A000;
	p0 =	por $0x0, $0x0;
	s7 =	sadd.s32 $0x1, s6  }
.LBB1_4:
0xc: {  	s15 =	sshll.u32 s9, $0x2;
	p1 =	sgt.s32 s9, $0x61A780  }
0xd: {  	s17 =	smov.u32 s9;
	s18 =	sshra.s32 s9, $0x1F;
	s16 =	sshrl.u32 s15, $0xB  }
0xe: {  	s17 =	simm.s32 @!p1 $0x61A780;
	s18 =	sand.u32 s18, s9;
	s16 =	smulhi.u32 $0x14F8B6, s16  }
0xf: {  	s19 =	sand.u32 $0x7F, s9;
	s15 =	sand.u32 $0xFFFFFE00, s15;
	s17 =	ssub.s32 s17, s18  }
0x10: {  	s17 =	sadd.s32 $0xFF9E5880, s17;
	s26 =	smul.u32 $0x61A800, s16  }
0x11: {  	s15 =	sor.u32 s19, s15;
	s16 =	sand.u32 $0x3, s16;
	s27 =	sshll.u32 s17, $0x4  }
0x12: {  	s28 =	ssub.s32 $0x800, s27;
	s16 =	smul.u32 $0xC3500, s16;
	s15 =	ssub.s32 s15, s26  }
0x13: {  	p1 =	sgt.s32 s17, $0x7F;
	s17 =	sshrl.u32 s28, $0x2;
	s29 =	sand.u32 $0x7, s15  }
0x14: {  	s15 =	sshrl.u32 s15, $0x3;
	s16 =	sadd.s32 s2, s16;
	s18 =	sshll.u32 s29, $0x12  }
0x15: {  	[tilespmem:s14+$0x0 ss:$0x81] =	vst.msk $0xffff, v0;
	s17 =	simm.s32 @p1 $0x0;
	s30 =	sadd.s32 s15, s16;
	s31 =	sor.u32 $0x200, s18  }
0x16: {  	[hbm4b:s30+s31] =	stream.strided.scatter [tilespmem:s13], [sflag:$0x2], s17, s8, s31, $0x20;
	[tilespmem:$0x4040] =	vst v63  }
.LBB1_5:
0x17: {  	p1 =	slt.u32 s11, $0x2  }
0x18: {  	p2 =	sgt.s32 @!p1 s12, $0x61A780  }
0x19: {  	s13 =	smov.u32 s12;
	s14 =	sshra.s32 @!p1 s12, $0x1F;
	p2 =	por !p2, p1  }
0x1a: {  	s12 =	sand.u32 @!p1 s14, s12;
	s13 =	simm.s32 @p2 $0x61A780  }
0x1b: {  	s12 =	ssub.s32 @!p1 s13, s12  }
0x1c: {  	s12 =	sadd.s32 @!p1 $0xFF9E5880, s12  }
0x1d: {  	s13 =	sshll.u32 @!p1 s12, $0x4  }
0x1e: {  	p2 =	sgt.s32 @!p1 s12, $0x7F;
	s12 =	ssub.s32 @!p1 $0x800, s13  }
0x1f: {  	s14 =	sadd.s32 $0x1000, s10;
	p2 =	por !p2, p1;
	s12 =	sshrl.u32 @!p1 s12, $0x2  }
0x20: {  	s12 =	simm.s32 @!p2 $0x0;
	p2 =	sgt.s32 s14, $0x61A7FF  }
0x21: {  	s14 =	smov.u32 @p2 s3;
	p2 =	sne.s32 s11, s7  }
.Ltmp1:
0x22: {  	_ = 	snop;
	(pc) =	sbr.rel @!p2 .LBB1_6-.Ltmp1, $4  }
0x23: {  	s13 =	simm.s32 @!p1 $0x2  }
0x24: {  	p0 =	por !p0, !p0;
	_ =	swait.ge @!p1 [sflag:s13], s12;
	s15 =	ssub.s32 @!p1 $0x0, s12  }
0x25: {  	s12 =	smov.u32 s9;
	s11 =	sadd.s32 $0x1, s11;
	[sflag:s13] =	ssyncset.done @!p1 $0x0  }
0x26: {  	s9 =	smov.u32 s10;
	s10 =	smov.u32 s14;
	[sflag:s13] =	ssyncadd.s32 @!p1 s15  }
.LBB1_1:
0x27: {  	p1 =	sge.u32 s11, s6  }
0x28: {  	s13 =	sand.u32 @!p1 $0x1FFFFFF, s10  }
0x29: {  	s14 =	smulhi.u32 @!p1 $0x14F8B59, s13;
	_ =	sdelay $0x1  }
0x2a: {  	s14 =	sshrl.u32 @!p1 s14, $0xF  }
0x2b: {  	s14 =	smul.u32 @!p1 $0x61A800, s14;
	_ =	sdelay $0x1  }
0x2c: {  	s31 =	sadd.s32 $0xFFFFFFFF, s11;
	s15 =	sxor.u32 @!p1 $0xFFFFFFFF, s11;
	s13 =	ssub.s32 @!p1 s13, s14  }
0x2d: {  	s16 =	simm.s32 @!p1 $0x80;
	s15 =	sshll.u32 @!p1 s15, $0xC;
	s13 =	sshll.u32 @!p1 s13, $0x4  }
0x2e: {  	s14 =	sand.u32 @!p1 $0x1000, s15;
	s15 =	simm.s32 @!p1 $0x20;
	s13 =	sadd.s32 @!p1 s5, s13  }
0x2f: {  	[tilespmem:s14], [sflag:$0x1] =	stream.strided.gather @!p1 [hbm4b:s13+s15], $0x1000, s16, s15, $0x38;
	[tilespmem:$0x4040] =	vst v63  }
0x30: {  	p1 =	sge.u32 s31, s6  }
.Ltmp2:
0x31: {  	_ = 	snop;
	(pc) =	sbr.rel @p1 .LBB1_5-.Ltmp2, $1  }
0x32: {  	_ =	sdelay $0x3  }
0x33: {  	s13 =	simm.s32 $0x1  }
0x34: {  	_ =	swait.ge [sflag:s4], $0x1000;
	s13 =	simm.s32 @!p0 $0x0  }
0x35: {  	[sflag:s4] =	ssyncset.done $0x0;
	s14 =	sshll.u32 s13, $0xC  }
0x36: {  	[sflag:s4] =	ssyncadd.s32 $0xFFFFF000;
	s17 =	sor.u32 $0x10, s14  }
0x37: {  	s13 =	smul.u32 $0x4080, s13;
	v1 =	vld [tilespmem:s17+$0x0]  }
0x38: {  	s30 =	sand.u32 $0x1, s11;
	v0 =	vld [tilespmem:s17+$0xFFFFFFF0]  }
0x39: {  	s14 =	smul.u32 $0x4080, s30;
	s13 =	sshrl.u32 s13, $0x2  }
0x3a: {  	s15 =	sor.u32 $0x2000, s13  }
0x3b: {  	s31 =	sshrl.u32 s14, $0x2;
	s14 =	sadd.s32 $0x0, s15  }
0x3c: {  	s16 =	simm.s32 $0x4;
	s17 =	sadd.s32 $0x20, s17;
	s13 =	sor.u32 $0x2000, s31;
	[tilespmem:s14+$0x810 ss:$0x81] =	vst.msk $0xffff, v1  }
.LBB1_3:
0x3d: {  	v1 =	vld [tilespmem:s17+$0x0];
	p1 =	sne.s32 s16, $0x1FC;
	[tilespmem:s14+$0x0 ss:$0x81] =	vst.msk $0xffff, v0;
	s14 =	smov.u32 s16;
	s16 =	sadd.s32 $0x4, s16  }
.Ltmp3:
0x3e: {  	v0 =	vld [tilespmem:s17+$0xFFFFFFF0];
	(pc) =	sbr.rel @p1 .LBB1_3-.Ltmp3, $4  }
0x3f: {  	_ = 	snop  }
0x40: {  	s14 =	sshra.s32 s14, $0x2  }
0x41: {  	s14 =	sadd.s32 s14, s15  }
0x42: {  	s17 =	sadd.s32 $0x20, s17;
	[tilespmem:s14+$0x810 ss:$0x81] =	vst.msk $0xffff, v1  }
.Ltmp4:
0x43: {  	_ = 	snop;
	(pc) =	sbr.rel .LBB1_4-.Ltmp4, $1  }
0x44: {  	_ =	sdelay $0x3  }
.LBB1_6:
0x45: {  	_ =	sfence.sel $0x180000  }
0x46: {  	s2 =	simm.s32 $0x1;
	[bflag:$0x0] =	sbarrier.arrive $0xFFFF  }
0x47: {  	s31 =	simm.s32 $0x2;
	[sflag:s2] =	ssyncpa.u1 $0x1  }
0x48: {  	[sflag:s31] =	ssyncpa.u1 $0x1  }
0x49: {  	p0 =	sne.s32 s0, $0x0;
	_ =	strace $0x9000004A  }
0x4a: {  	s0 =	sadd.s32 @!p0 $0x100000, s1;
	[bflag:$0x2] =	sbarrier.arrive $0xFFFF  }
0x4b: {  	[sflag:s0] =	ssyncadd.tile.s32 @!p0 $0x1;
	_ =	shalt  }
.Lfunc_end1:
_tile_overlayer_lowered:
.L_overlay_start_2:
0x4c: {  	(tag) =	ssettag $0x2  }
0x4d: {  	s0 =	rddreg [dreg:$0x0];
	s2 =	stileid.u32  }
0x4e: {  	s1 =	rddreg [dreg:$0x1];
	p0 =	sne.s32 s2, $0x0  }
0x4f: {  	s3 =	rddreg [dreg:$0x2];
	[bflag:$0x3] =	sbarrier.arrive $0xFFFF;
	s2 =	simm.s32 @!p0 $0x1C01  }
0x50: {  	[timem:s3], [sflag:s2] =	dma.local @!p0 [hbm:s0], s1  }
0x51: {  	s0 =	simm.s32 @!p0 $0x1  }
0x52: {  	_ =	swait.ge @!p0 [sflag:s0], s1  }
0x53: {  	s1 =	ssub.s32 @!p0 $0x0, s1;
	[sflag:s0] =	ssyncset.done @!p0 $0x0  }
0x54: {  	[sflag:s0] =	ssyncadd.s32 @!p0 s1  }
0x55: {  	[bflag:$0x3] =	sbarrier.arrive $0xFFFF  }
0x56: {  	_ =	shalt  }

</sc_bundles>
